<compile_context>
chip_gen: v7x
topology: tpu7x:2x2x1
jax: 0.10.2.dev20260603
libtpu: 0.0.44.dev20260713+nightly
codegen_flags: <defaults>
</compile_context>

<pallas_src>
import jax
import jax.numpy as jnp
from jax import lax
from jax.experimental import pallas as pl
from jax.experimental.pallas import tpu as pltpu
from jax.experimental.pallas import tpu_sc as plsc

N_NODES = 10000
N_EDGES = 320000
D_FEAT = 128
D_EDGE = 16
LANES = 16
DH = D_FEAT // 2

C = 80
NCHUNK = N_EDGES // C
NCORES = 2
NSUB = 16
NW = NCORES * NSUB
CH_PER_W = NCHUNK // NW

BE = 16000


def _round_bf16_bits(f):
    u = jax.lax.bitcast_convert_type(f, jnp.int32)
    rounded = u + jnp.int32(0x7FFF) + ((u >> 16) & jnp.int32(1))
    return (rounded >> 16) & jnp.int32(0xFFFF)


def _tc_matmul_body(ea_ref, w_ref, b_ref, out_ref):
    ea = ea_ref[...].astype(jnp.bfloat16)
    ef = jnp.dot(ea, w_ref[...], preferred_element_type=jnp.float32) + b_ref[...]
    out_ref[...] = ef


def _edge_feat_tc(edge_attr, W_e, b):
    return pl.pallas_call(
        _tc_matmul_body,
        grid=(N_EDGES // BE,),
        in_specs=[
            pl.BlockSpec((BE, D_EDGE), lambda i: (i, 0)),
            pl.BlockSpec((D_EDGE, D_FEAT), lambda i: (0, 0)),
            pl.BlockSpec((1, D_FEAT), lambda i: (0, 0)),
        ],
        out_specs=pl.BlockSpec((BE, D_FEAT), lambda i: (i, 0)),
        out_shape=jax.ShapeDtypeStruct((N_EDGES, D_FEAT), jnp.float32),
    )(edge_attr, W_e.astype(jnp.bfloat16), b.reshape(1, D_FEAT))


def _sc_body(x_hbm, row_hbm, col_hbm, ef_hbm, out_hbm,
             row0, row1, col0, col1, ef0, ef1, xr0, xr1, xc0, xc1,
             ov0, ov1, gs0, gs1, ws0, ws1):
    row_v = (row0, row1)
    col_v = (col0, col1)
    ef_v = (ef0, ef1)
    xr_v = (xr0, xr1)
    xc_v = (xc0, xc1)
    out_v = (ov0, ov1)
    gsem = (gs0, gs1)
    wsem = (ws0, ws1)

    wid = lax.axis_index("c") * NSUB + lax.axis_index("s")
    wbase = wid * CH_PER_W

    def start(cid, b):
        base = cid * C
        pltpu.sync_copy(row_hbm.at[pl.ds(base, C)], row_v[b])
        pltpu.sync_copy(col_hbm.at[pl.ds(base, C)], col_v[b])
        pltpu.async_copy(x_hbm.at[row_v[b]], xr_v[b], gsem[b])
        pltpu.async_copy(x_hbm.at[col_v[b]], xc_v[b], gsem[b])
        pltpu.async_copy(ef_hbm.at[pl.ds(base, C)], ef_v[b], gsem[b])

    def wait_gathers(cid, b):
        base = cid * C
        pltpu.make_async_copy(x_hbm.at[row_v[b]], xr_v[b], gsem[b]).wait()
        pltpu.make_async_copy(x_hbm.at[col_v[b]], xc_v[b], gsem[b]).wait()
        pltpu.make_async_copy(ef_hbm.at[pl.ds(base, C)], ef_v[b],
                              gsem[b]).wait()

    def compute(b):
        def e_body(e, ecarry):
            for g in range(D_FEAT // LANES):
                sl = pl.ds(g * LANES, LANES)
                out_v[b][e, sl] = jnp.maximum(
                    xr_v[b][e, sl] + xc_v[b][e, sl] + ef_v[b][e, sl], 0.0)
            return ecarry

        lax.fori_loop(0, C, e_body, 0)

    def write(cid, b):
        pltpu.async_copy(out_v[b], out_hbm.at[pl.ds(cid * C, C)], wsem[b])

    def wait_write(cid, b):
        pltpu.make_async_copy(out_v[b], out_hbm.at[pl.ds(cid * C, C)],
                              wsem[b]).wait()

    start(wbase + 0, 0)
    start(wbase + 1, 1)

    def pair_body(j, carry):
        i0 = 2 * j
        for b in range(2):
            cid = wbase + i0 + b
            wait_gathers(cid, b)

            @pl.when(j >= 1)
            def _():
                wait_write(cid - 2, b)

            compute(b)
            write(cid, b)

            @pl.when(i0 + b + 2 < CH_PER_W)
            def _():
                start(cid + 2, b)

        return carry

    lax.fori_loop(0, (CH_PER_W - 1) // 2, pair_body, 0)

    cid = wbase + CH_PER_W - 1
    wait_gathers(cid, 0)
    wait_write(cid - 2, 0)
    compute(0)
    write(cid, 0)
    wait_write(cid, 0)
    wait_write(cid - 1, 1)


def kernel(x, edge_index, edge_attr, W_e, b):
    row = edge_index[0]
    col = edge_index[1]
    ef = _edge_feat_tc(edge_attr, W_e, b)
    mesh = plsc.VectorSubcoreMesh(core_axis_name="c", subcore_axis_name="s")
    f = pl.kernel(
        _sc_body,
        out_type=jax.ShapeDtypeStruct((N_EDGES, D_FEAT), jnp.float32),
        mesh=mesh,
        scratch_types=[
            pltpu.VMEM((C,), jnp.int32),
            pltpu.VMEM((C,), jnp.int32),
            pltpu.VMEM((C,), jnp.int32),
            pltpu.VMEM((C,), jnp.int32),
            pltpu.VMEM((C, D_FEAT), jnp.float32),
            pltpu.VMEM((C, D_FEAT), jnp.float32),
            pltpu.VMEM((C, D_FEAT), jnp.float32),
            pltpu.VMEM((C, D_FEAT), jnp.float32),
            pltpu.VMEM((C, D_FEAT), jnp.float32),
            pltpu.VMEM((C, D_FEAT), jnp.float32),
            pltpu.VMEM((C, D_FEAT), jnp.float32),
            pltpu.VMEM((C, D_FEAT), jnp.float32),
            pltpu.SemaphoreType.DMA,
            pltpu.SemaphoreType.DMA,
            pltpu.SemaphoreType.DMA,
            pltpu.SemaphoreType.DMA,
        ],
    )
    return f(x, row, col, ef)

# --- scband reference (transcript-rebuilt; emitter-appended) ---
"""Pipeline reference for scband-interaction-hetero-conv-65472481460661 (READ-ONLY COPY).

The authoritative reference and input builder live on the scoring server;
editing this copy changes nothing except your own understanding.
"""

import jax, jax.numpy as jnp
import numpy as np

N_NODES = 10000
N_EDGES = 320000
D_FEAT = 128
D_EDGE = 16


def setup_inputs(seed: int = 0) -> dict:
    key = jax.random.key(seed)
    k1, k2, k3, k4 = jax.random.split(key, 4)
    x = jax.random.normal(k1, (N_NODES, D_FEAT), dtype=jnp.float32)
    edge_index = jax.random.randint(k2, (2, N_EDGES), 0, N_NODES, dtype=jnp.int32)
    edge_attr = jax.random.normal(k3, (N_EDGES, D_EDGE), dtype=jnp.float32)
    # learned params of the per-edge-type conv's edge_update: Linear(edge_dim -> out_channels)
    W_e = jax.random.normal(k4, (D_EDGE, D_FEAT), dtype=jnp.float32) * 0.05
    b = jnp.zeros((D_FEAT,), dtype=jnp.float32)
    return {"x": x, "edge_index": edge_index, "edge_attr": edge_attr, "W_e": W_e, "b": b}


def reference(x, edge_index, edge_attr, W_e, b):
    # Faithful translation of InteractionHeteroConv.edge_forward for a single
    # edge type ('node','rel','node') where src == dst node store.
    # conv.edge_update((x_src, x_dst), edge, edge_index) computes a per-edge
    # interaction message: relu(x_i + x_j + Linear(edge_attr)).
    row = edge_index[0]
    col = edge_index[1]
    x_src = jnp.take(x, row, axis=0)   # gather source node feats  [E, D]
    x_dst = jnp.take(x, col, axis=0)   # gather dest node feats    [E, D]
    edge_feat = edge_attr @ W_e + b    # edge feature projection   [E, D]
    out = jax.nn.relu(x_src + x_dst + edge_feat)  # per-edge output [E, D]
    # out_dict[edge_type] = out; single edge type -> return tensor directly
    return out

if __name__ == "__main__":
    import jax
    _d = setup_inputs()
    print(jax.jit(kernel)(*tuple(_d.values())))

</pallas_src>

<mosaic_0001>
#map = affine_map<(d0, d1) -> (0, 0)>
#map1 = affine_map<(d0, d1) -> (0)>
module attributes {stable_mosaic.version = 14 : i64} {
  func.func @_sc_body(%arg0: i32, %arg1: i32, %arg2: memref<10000x128xf32, #tpu.memory_space<hbm>>, %arg3: memref<320000xi32, #tpu.memory_space<hbm>>, %arg4: memref<320000xi32, #tpu.memory_space<hbm>>, %arg5: memref<320000x128xf32, #tpu.memory_space<hbm>>, %arg6: memref<320000x128xf32, #tpu.memory_space<hbm>>, %arg7: memref<80xi32, #tpu.memory_space<vmem>>, %arg8: memref<80xi32, #tpu.memory_space<vmem>>, %arg9: memref<80xi32, #tpu.memory_space<vmem>>, %arg10: memref<80xi32, #tpu.memory_space<vmem>>, %arg11: memref<80x128xf32, #tpu.memory_space<vmem>>, %arg12: memref<80x128xf32, #tpu.memory_space<vmem>>, %arg13: memref<80x128xf32, #tpu.memory_space<vmem>>, %arg14: memref<80x128xf32, #tpu.memory_space<vmem>>, %arg15: memref<80x128xf32, #tpu.memory_space<vmem>>, %arg16: memref<80x128xf32, #tpu.memory_space<vmem>>, %arg17: memref<80x128xf32, #tpu.memory_space<vmem>>, %arg18: memref<80x128xf32, #tpu.memory_space<vmem>>, %arg19: memref<!tpu.dma_semaphore, #tpu.memory_space<semaphore_mem>>, %arg20: memref<!tpu.dma_semaphore, #tpu.memory_space<semaphore_mem>>, %arg21: memref<!tpu.dma_semaphore, #tpu.memory_space<semaphore_mem>>, %arg22: memref<!tpu.dma_semaphore, #tpu.memory_space<semaphore_mem>>) attributes {dimension_semantics = [#tpu.dimension_semantics<core_parallel>, #tpu.dimension_semantics<subcore_parallel>], iteration_bounds = array<i64: 2, 16>, scalar_prefetch = 0 : i64, scratch_operands = 16 : i64, tpu.core_type = #tpu.core_type<sc_vector_subcore>, window_params = [{transform_indices = #map}, {transform_indices = #map1}, {transform_indices = #map1}, {transform_indices = #map}, {transform_indices = #map}]} {
    %mul3A = arith.constant 16 : i32
    %mul3A_0 = arith.muli %arg0, %mul3A : i32
    %add3A = arith.addi %mul3A_0, %arg1 : i32
    %mul3A_1 = arith.constant 125 : i32
    %mul3A_2 = arith.muli %add3A, %mul3A_1 : i32
    %add3A_3 = arith.constant 0 : i32
    %add3A_4 = arith.addi %mul3A_2, %add3A_3 : i32
    %mul3A_5 = arith.constant 80 : i32
    %mul3A_6 = arith.muli %add3A_4, %mul3A_5 : i32
    "tpu.region"() ({
      %run_scoped3A = tpu.sem_alloc : memref<!tpu.dma_semaphore, #tpu.memory_space<semaphore_mem>>
      %dma_start3A_83 = tpu.memref_slice %arg3[%mul3A_6] : memref<320000xi32, #tpu.memory_space<hbm>> -> memref<80xi32, #tpu.memory_space<hbm>>
      %dma_start3A_84 = tpu.memref_slice %arg3[%mul3A_6] : memref<320000xi32, #tpu.memory_space<hbm>> -> memref<80xi32, #tpu.memory_space<hbm>>
      tpu.enqueue_dma source(%dma_start3A_84 : memref<80xi32, #tpu.memory_space<hbm>>) target(%arg7 : memref<80xi32, #tpu.memory_space<vmem>>) target_semaphore(%run_scoped3A : memref<!tpu.dma_semaphore, #tpu.memory_space<semaphore_mem>>)
      %dma_wait3A_85 = tpu.memref_slice %arg3[%mul3A_6] : memref<320000xi32, #tpu.memory_space<hbm>> -> memref<80xi32, #tpu.memory_space<hbm>>
      %dma_wait3A_86 = tpu.memref_slice %arg3[%mul3A_6] : memref<320000xi32, #tpu.memory_space<hbm>> -> memref<80xi32, #tpu.memory_space<hbm>>
      tpu.wait_dma2 semaphore(%run_scoped3A : memref<!tpu.dma_semaphore, #tpu.memory_space<semaphore_mem>>) src(%dma_wait3A_86 : memref<80xi32, #tpu.memory_space<hbm>>) dst(%arg7 : memref<80xi32, #tpu.memory_space<vmem>>)
      tpu.yield
    }) : () -> ()
    "tpu.region"() ({
      %run_scoped3A = tpu.sem_alloc : memref<!tpu.dma_semaphore, #tpu.memory_space<semaphore_mem>>
      %dma_start3A_83 = tpu.memref_slice %arg4[%mul3A_6] : memref<320000xi32, #tpu.memory_space<hbm>> -> memref<80xi32, #tpu.memory_space<hbm>>
      %dma_start3A_84 = tpu.memref_slice %arg4[%mul3A_6] : memref<320000xi32, #tpu.memory_space<hbm>> -> memref<80xi32, #tpu.memory_space<hbm>>
      tpu.enqueue_dma source(%dma_start3A_84 : memref<80xi32, #tpu.memory_space<hbm>>) target(%arg9 : memref<80xi32, #tpu.memory_space<vmem>>) target_semaphore(%run_scoped3A : memref<!tpu.dma_semaphore, #tpu.memory_space<semaphore_mem>>)
      %dma_wait3A_85 = tpu.memref_slice %arg4[%mul3A_6] : memref<320000xi32, #tpu.memory_space<hbm>> -> memref<80xi32, #tpu.memory_space<hbm>>
      %dma_wait3A_86 = tpu.memref_slice %arg4[%mul3A_6] : memref<320000xi32, #tpu.memory_space<hbm>> -> memref<80xi32, #tpu.memory_space<hbm>>
      tpu.wait_dma2 semaphore(%run_scoped3A : memref<!tpu.dma_semaphore, #tpu.memory_space<semaphore_mem>>) src(%dma_wait3A_86 : memref<80xi32, #tpu.memory_space<hbm>>) dst(%arg9 : memref<80xi32, #tpu.memory_space<vmem>>)
      tpu.yield
    }) : () -> ()
    %dma_start3A = arith.constant 0 : i32
    %dma_start3A_7 = arith.constant 0 : i32
    %dma_start3A_8 = tpu.memref_slice %arg2[%dma_start3A, %dma_start3A_7] : memref<10000x128xf32, #tpu.memory_space<hbm>> -> memref<10000x128xf32, #tpu.memory_space<hbm>>
    tpu.enqueue_indirect_dma source(%dma_start3A_8 : memref<10000x128xf32, #tpu.memory_space<hbm>>) target(%arg13 : memref<80x128xf32, #tpu.memory_space<vmem>>) offsets(%arg7 : memref<80xi32, #tpu.memory_space<vmem>>) semaphore(%arg19 : memref<!tpu.dma_semaphore, #tpu.memory_space<semaphore_mem>>)
    %dma_start3A_9 = arith.constant 0 : i32
    %dma_start3A_10 = arith.constant 0 : i32
    %dma_start3A_11 = tpu.memref_slice %arg2[%dma_start3A_9, %dma_start3A_10] : memref<10000x128xf32, #tpu.memory_space<hbm>> -> memref<10000x128xf32, #tpu.memory_space<hbm>>
    tpu.enqueue_indirect_dma source(%dma_start3A_11 : memref<10000x128xf32, #tpu.memory_space<hbm>>) target(%arg15 : memref<80x128xf32, #tpu.memory_space<vmem>>) offsets(%arg9 : memref<80xi32, #tpu.memory_space<vmem>>) semaphore(%arg19 : memref<!tpu.dma_semaphore, #tpu.memory_space<semaphore_mem>>)
    %dma_start3A_12 = arith.constant 0 : i32
    %dma_start3A_13 = tpu.memref_slice %arg5[%mul3A_6, %dma_start3A_12] : memref<320000x128xf32, #tpu.memory_space<hbm>> -> memref<80x128xf32, #tpu.memory_space<hbm>>
    %dma_start3A_14 = arith.constant 0 : i32
    %dma_start3A_15 = tpu.memref_slice %arg5[%mul3A_6, %dma_start3A_14] : memref<320000x128xf32, #tpu.memory_space<hbm>> -> memref<80x128xf32, #tpu.memory_space<hbm>>
    tpu.enqueue_dma source(%dma_start3A_15 : memref<80x128xf32, #tpu.memory_space<hbm>>) target(%arg11 : memref<80x128xf32, #tpu.memory_space<vmem>>) target_semaphore(%arg19 : memref<!tpu.dma_semaphore, #tpu.memory_space<semaphore_mem>>)
    %add3A_16 = arith.constant 1 : i32
    %add3A_17 = arith.addi %mul3A_2, %add3A_16 : i32
    %mul3A_18 = arith.constant 80 : i32
    %mul3A_19 = arith.muli %add3A_17, %mul3A_18 : i32
    "tpu.region"() ({
      %run_scoped3A = tpu.sem_alloc : memref<!tpu.dma_semaphore, #tpu.memory_space<semaphore_mem>>
      %dma_start3A_83 = tpu.memref_slice %arg3[%mul3A_19] : memref<320000xi32, #tpu.memory_space<hbm>> -> memref<80xi32, #tpu.memory_space<hbm>>
      %dma_start3A_84 = tpu.memref_slice %arg3[%mul3A_19] : memref<320000xi32, #tpu.memory_space<hbm>> -> memref<80xi32, #tpu.memory_space<hbm>>
      tpu.enqueue_dma source(%dma_start3A_84 : memref<80xi32, #tpu.memory_space<hbm>>) target(%arg8 : memref<80xi32, #tpu.memory_space<vmem>>) target_semaphore(%run_scoped3A : memref<!tpu.dma_semaphore, #tpu.memory_space<semaphore_mem>>)
      %dma_wait3A_85 = tpu.memref_slice %arg3[%mul3A_19] : memref<320000xi32, #tpu.memory_space<hbm>> -> memref<80xi32, #tpu.memory_space<hbm>>
      %dma_wait3A_86 = tpu.memref_slice %arg3[%mul3A_19] : memref<320000xi32, #tpu.memory_space<hbm>> -> memref<80xi32, #tpu.memory_space<hbm>>
      tpu.wait_dma2 semaphore(%run_scoped3A : memref<!tpu.dma_semaphore, #tpu.memory_space<semaphore_mem>>) src(%dma_wait3A_86 : memref<80xi32, #tpu.memory_space<hbm>>) dst(%arg8 : memref<80xi32, #tpu.memory_space<vmem>>)
      tpu.yield
    }) : () -> ()
    "tpu.region"() ({
      %run_scoped3A = tpu.sem_alloc : memref<!tpu.dma_semaphore, #tpu.memory_space<semaphore_mem>>
      %dma_start3A_83 = tpu.memref_slice %arg4[%mul3A_19] : memref<320000xi32, #tpu.memory_space<hbm>> -> memref<80xi32, #tpu.memory_space<hbm>>
      %dma_start3A_84 = tpu.memref_slice %arg4[%mul3A_19] : memref<320000xi32, #tpu.memory_space<hbm>> -> memref<80xi32, #tpu.memory_space<hbm>>
      tpu.enqueue_dma source(%dma_start3A_84 : memref<80xi32, #tpu.memory_space<hbm>>) target(%arg10 : memref<80xi32, #tpu.memory_space<vmem>>) target_semaphore(%run_scoped3A : memref<!tpu.dma_semaphore, #tpu.memory_space<semaphore_mem>>)
      %dma_wait3A_85 = tpu.memref_slice %arg4[%mul3A_19] : memref<320000xi32, #tpu.memory_space<hbm>> -> memref<80xi32, #tpu.memory_space<hbm>>
      %dma_wait3A_86 = tpu.memref_slice %arg4[%mul3A_19] : memref<320000xi32, #tpu.memory_space<hbm>> -> memref<80xi32, #tpu.memory_space<hbm>>
      tpu.wait_dma2 semaphore(%run_scoped3A : memref<!tpu.dma_semaphore, #tpu.memory_space<semaphore_mem>>) src(%dma_wait3A_86 : memref<80xi32, #tpu.memory_space<hbm>>) dst(%arg10 : memref<80xi32, #tpu.memory_space<vmem>>)
      tpu.yield
    }) : () -> ()
    %dma_start3A_20 = arith.constant 0 : i32
    %dma_start3A_21 = arith.constant 0 : i32
    %dma_start3A_22 = tpu.memref_slice %arg2[%dma_start3A_20, %dma_start3A_21] : memref<10000x128xf32, #tpu.memory_space<hbm>> -> memref<10000x128xf32, #tpu.memory_space<hbm>>
    tpu.enqueue_indirect_dma source(%dma_start3A_22 : memref<10000x128xf32, #tpu.memory_space<hbm>>) target(%arg14 : memref<80x128xf32, #tpu.memory_space<vmem>>) offsets(%arg8 : memref<80xi32, #tpu.memory_space<vmem>>) semaphore(%arg20 : memref<!tpu.dma_semaphore, #tpu.memory_space<semaphore_mem>>)
    %dma_start3A_23 = arith.constant 0 : i32
    %dma_start3A_24 = arith.constant 0 : i32
    %dma_start3A_25 = tpu.memref_slice %arg2[%dma_start3A_23, %dma_start3A_24] : memref<10000x128xf32, #tpu.memory_space<hbm>> -> memref<10000x128xf32, #tpu.memory_space<hbm>>
    tpu.enqueue_indirect_dma source(%dma_start3A_25 : memref<10000x128xf32, #tpu.memory_space<hbm>>) target(%arg16 : memref<80x128xf32, #tpu.memory_space<vmem>>) offsets(%arg10 : memref<80xi32, #tpu.memory_space<vmem>>) semaphore(%arg20 : memref<!tpu.dma_semaphore, #tpu.memory_space<semaphore_mem>>)
    %dma_start3A_26 = arith.constant 0 : i32
    %dma_start3A_27 = tpu.memref_slice %arg5[%mul3A_19, %dma_start3A_26] : memref<320000x128xf32, #tpu.memory_space<hbm>> -> memref<80x128xf32, #tpu.memory_space<hbm>>
    %dma_start3A_28 = arith.constant 0 : i32
    %dma_start3A_29 = tpu.memref_slice %arg5[%mul3A_19, %dma_start3A_28] : memref<320000x128xf32, #tpu.memory_space<hbm>> -> memref<80x128xf32, #tpu.memory_space<hbm>>
    tpu.enqueue_dma source(%dma_start3A_29 : memref<80x128xf32, #tpu.memory_space<hbm>>) target(%arg12 : memref<80x128xf32, #tpu.memory_space<vmem>>) target_semaphore(%arg20 : memref<!tpu.dma_semaphore, #tpu.memory_space<semaphore_mem>>)
    %scan3A = arith.constant 0 : i32
    %scan3A_30 = arith.constant 0 : i32
    %scan3A_31 = arith.constant 62 : i32
    %scan3A_32 = arith.addi %scan3A_30, %scan3A_31 : i32
    %scan3A_33 = arith.constant 1 : i32
    scf.for %scan3A_83 = %scan3A_30 to %scan3A_32 step %scan3A_33  : i32 {
      %mul3A_84 = arith.constant 2 : i32
      %mul3A_85 = arith.muli %mul3A_84, %scan3A_83 : i32
      %add3A_86 = arith.addi %mul3A_2, %mul3A_85 : i32
      %add3A_87 = arith.constant 0 : i32
      %add3A_88 = arith.addi %add3A_86, %add3A_87 : i32
      %mul3A_89 = arith.constant 80 : i32
      %mul3A_90 = arith.muli %add3A_88, %mul3A_89 : i32
      %dma_wait3A_91 = arith.constant 0 : i32
      %dma_wait3A_92 = arith.constant 0 : i32
      %dma_wait3A_93 = tpu.memref_slice %arg2[%dma_wait3A_91, %dma_wait3A_92] : memref<10000x128xf32, #tpu.memory_space<hbm>> -> memref<10000x128xf32, #tpu.memory_space<hbm>>
      tpu.wait_indirect_dma semaphore(%arg19 : memref<!tpu.dma_semaphore, #tpu.memory_space<semaphore_mem>>) src(%dma_wait3A_93 : memref<10000x128xf32, #tpu.memory_space<hbm>>) dst(%arg13 : memref<80x128xf32, #tpu.memory_space<vmem>>)
      %dma_wait3A_94 = arith.constant 0 : i32
      %dma_wait3A_95 = arith.constant 0 : i32
      %dma_wait3A_96 = tpu.memref_slice %arg2[%dma_wait3A_94, %dma_wait3A_95] : memref<10000x128xf32, #tpu.memory_space<hbm>> -> memref<10000x128xf32, #tpu.memory_space<hbm>>
      tpu.wait_indirect_dma semaphore(%arg19 : memref<!tpu.dma_semaphore, #tpu.memory_space<semaphore_mem>>) src(%dma_wait3A_96 : memref<10000x128xf32, #tpu.memory_space<hbm>>) dst(%arg15 : memref<80x128xf32, #tpu.memory_space<vmem>>)
      %dma_wait3A_97 = arith.constant 0 : i32
      %dma_wait3A_98 = tpu.memref_slice %arg5[%mul3A_90, %dma_wait3A_97] : memref<320000x128xf32, #tpu.memory_space<hbm>> -> memref<80x128xf32, #tpu.memory_space<hbm>>
      %dma_wait3A_99 = arith.constant 0 : i32
      %dma_wait3A_100 = tpu.memref_slice %arg5[%mul3A_90, %dma_wait3A_99] : memref<320000x128xf32, #tpu.memory_space<hbm>> -> memref<80x128xf32, #tpu.memory_space<hbm>>
      tpu.wait_dma2 semaphore(%arg19 : memref<!tpu.dma_semaphore, #tpu.memory_space<semaphore_mem>>) src(%dma_wait3A_100 : memref<80x128xf32, #tpu.memory_space<hbm>>) dst(%arg11 : memref<80x128xf32, #tpu.memory_space<vmem>>)
      %ge3A = arith.constant 1 : i32
      %ge3A_101 = arith.cmpi sge, %scan3A_83, %ge3A : i32
      %convert_element_type3A = arith.extui %ge3A_101 : i1 to i32
      %cond3A = arith.constant 0 : i32
      %cond3A_102 = arith.cmpi ne, %convert_element_type3A, %cond3A : i32
      scf.if %cond3A_102 {
        %sub3A_164 = arith.constant 2 : i32
        %sub3A_165 = arith.subi %add3A_88, %sub3A_164 : i32
        %mul3A_166 = arith.constant 80 : i32
        %mul3A_167 = arith.muli %sub3A_165, %mul3A_166 : i32
        %dma_wait3A_168 = arith.constant 0 : i32
        %dma_wait3A_169 = tpu.memref_slice %arg6[%mul3A_167, %dma_wait3A_168] : memref<320000x128xf32, #tpu.memory_space<hbm>> -> memref<80x128xf32, #tpu.memory_space<hbm>>
        %dma_wait3A_170 = arith.constant 0 : i32
        %dma_wait3A_171 = tpu.memref_slice %arg6[%mul3A_167, %dma_wait3A_170] : memref<320000x128xf32, #tpu.memory_space<hbm>> -> memref<80x128xf32, #tpu.memory_space<hbm>>
        tpu.wait_dma2 semaphore(%arg21 : memref<!tpu.dma_semaphore, #tpu.memory_space<semaphore_mem>>) src(%arg17 : memref<80x128xf32, #tpu.memory_space<vmem>>) dst(%dma_wait3A_171 : memref<80x128xf32, #tpu.memory_space<hbm>>)
      } else {
      }
      %scan3A_103 = arith.constant 0 : i32
      %scan3A_104 = arith.constant 0 : i32
      %scan3A_105 = arith.constant 80 : i32
      %scan3A_106 = arith.addi %scan3A_104, %scan3A_105 : i32
      %scan3A_107 = arith.constant 1 : i32
      scf.for %scan3A_164 = %scan3A_104 to %scan3A_106 step %scan3A_107  : i32 {
        %get3A = arith.index_cast %scan3A_164 : i32 to index
        %get3A_165 = arith.constant 0 : index
        %get3A_166 = tpu.vector_load %arg13[%get3A, %get3A_165] {strides = array<i32>} : memref<80x128xf32, #tpu.memory_space<vmem>>, vector<1x16xf32>,
        %get3A_167 = vector.shape_cast %get3A_166 : vector<1x16xf32> to vector<16xf32>
        %get3A_168 = arith.index_cast %scan3A_164 : i32 to index
        %get3A_169 = arith.constant 0 : index
        %get3A_170 = tpu.vector_load %arg15[%get3A_168, %get3A_169] {strides = array<i32>} : memref<80x128xf32, #tpu.memory_space<vmem>>, vector<1x16xf32>,
        %get3A_171 = vector.shape_cast %get3A_170 : vector<1x16xf32> to vector<16xf32>
        %add3A_172 = arith.addf %get3A_167, %get3A_171 : vector<16xf32>
        %get3A_173 = arith.index_cast %scan3A_164 : i32 to index
        %get3A_174 = arith.constant 0 : index
        %get3A_175 = tpu.vector_load %arg11[%get3A_173, %get3A_174] {strides = array<i32>} : memref<80x128xf32, #tpu.memory_space<vmem>>, vector<1x16xf32>,
        %get3A_176 = vector.shape_cast %get3A_175 : vector<1x16xf32> to vector<16xf32>
        %add3A_177 = arith.addf %add3A_172, %get3A_176 : vector<16xf32>
        %max3A = arith.constant 0.000000e+00 : f32
        %max3A_178 = vector.broadcast %max3A : f32 to vector<16xf32>
        %max3A_179 = arith.maximumf %add3A_177, %max3A_178 : vector<16xf32>
        %swap3A = arith.index_cast %scan3A_164 : i32 to index
        %swap3A_180 = arith.constant 0 : index
        %swap3A_181 = tpu.vector_load %arg17[%swap3A, %swap3A_180] {strides = array<i32>} : memref<80x128xf32, #tpu.memory_space<vmem>>, vector<1x16xf32>,
        %swap3A_182 = vector.shape_cast %swap3A_181 : vector<1x16xf32> to vector<16xf32>
        %swap3A_183 = vector.shape_cast %max3A_179 : vector<16xf32> to vector<1x16xf32>
        tpu.vector_store %arg17[%swap3A, %swap3A_180], %swap3A_183 {strides = array<i32>} : memref<80x128xf32, #tpu.memory_space<vmem>>, vector<1x16xf32>,
        %get3A_184 = arith.index_cast %scan3A_164 : i32 to index
        %get3A_185 = arith.constant 16 : index
        %get3A_186 = tpu.vector_load %arg13[%get3A_184, %get3A_185] {strides = array<i32>} : memref<80x128xf32, #tpu.memory_space<vmem>>, vector<1x16xf32>,
        %get3A_187 = vector.shape_cast %get3A_186 : vector<1x16xf32> to vector<16xf32>
        %get3A_188 = arith.index_cast %scan3A_164 : i32 to index
        %get3A_189 = arith.constant 16 : index
        %get3A_190 = tpu.vector_load %arg15[%get3A_188, %get3A_189] {strides = array<i32>} : memref<80x128xf32, #tpu.memory_space<vmem>>, vector<1x16xf32>,
        %get3A_191 = vector.shape_cast %get3A_190 : vector<1x16xf32> to vector<16xf32>
        %add3A_192 = arith.addf %get3A_187, %get3A_191 : vector<16xf32>
        %get3A_193 = arith.index_cast %scan3A_164 : i32 to index
        %get3A_194 = arith.constant 16 : index
        %get3A_195 = tpu.vector_load %arg11[%get3A_193, %get3A_194] {strides = array<i32>} : memref<80x128xf32, #tpu.memory_space<vmem>>, vector<1x16xf32>,
        %get3A_196 = vector.shape_cast %get3A_195 : vector<1x16xf32> to vector<16xf32>
        %add3A_197 = arith.addf %add3A_192, %get3A_196 : vector<16xf32>
        %max3A_198 = arith.constant 0.000000e+00 : f32
        %max3A_199 = vector.broadcast %max3A_198 : f32 to vector<16xf32>
        %max3A_200 = arith.maximumf %add3A_197, %max3A_199 : vector<16xf32>
        %swap3A_201 = arith.index_cast %scan3A_164 : i32 to index
        %swap3A_202 = arith.constant 16 : index
        %swap3A_203 = tpu.vector_load %arg17[%swap3A_201, %swap3A_202] {strides = array<i32>} : memref<80x128xf32, #tpu.memory_space<vmem>>, vector<1x16xf32>,
        %swap3A_204 = vector.shape_cast %swap3A_203 : vector<1x16xf32> to vector<16xf32>
        %swap3A_205 = vector.shape_cast %max3A_200 : vector<16xf32> to vector<1x16xf32>
        tpu.vector_store %arg17[%swap3A_201, %swap3A_202], %swap3A_205 {strides = array<i32>} : memref<80x128xf32, #tpu.memory_space<vmem>>, vector<1x16xf32>,
        %get3A_206 = arith.index_cast %scan3A_164 : i32 to index
        %get3A_207 = arith.constant 32 : index
        %get3A_208 = tpu.vector_load %arg13[%get3A_206, %get3A_207] {strides = array<i32>} : memref<80x128xf32, #tpu.memory_space<vmem>>, vector<1x16xf32>,
        %get3A_209 = vector.shape_cast %get3A_208 : vector<1x16xf32> to vector<16xf32>
        %get3A_210 = arith.index_cast %scan3A_164 : i32 to index
        %get3A_211 = arith.constant 32 : index
        %get3A_212 = tpu.vector_load %arg15[%get3A_210, %get3A_211] {strides = array<i32>} : memref<80x128xf32, #tpu.memory_space<vmem>>, vector<1x16xf32>,
        %get3A_213 = vector.shape_cast %get3A_212 : vector<1x16xf32> to vector<16xf32>
        %add3A_214 = arith.addf %get3A_209, %get3A_213 : vector<16xf32>
        %get3A_215 = arith.index_cast %scan3A_164 : i32 to index
        %get3A_216 = arith.constant 32 : index
        %get3A_217 = tpu.vector_load %arg11[%get3A_215, %get3A_216] {strides = array<i32>} : memref<80x128xf32, #tpu.memory_space<vmem>>, vector<1x16xf32>,
        %get3A_218 = vector.shape_cast %get3A_217 : vector<1x16xf32> to vector<16xf32>
        %add3A_219 = arith.addf %add3A_214, %get3A_218 : vector<16xf32>
        %max3A_220 = arith.constant 0.000000e+00 : f32
        %max3A_221 = vector.broadcast %max3A_220 : f32 to vector<16xf32>
        %max3A_222 = arith.maximumf %add3A_219, %max3A_221 : vector<16xf32>
        %swap3A_223 = arith.index_cast %scan3A_164 : i32 to index
        %swap3A_224 = arith.constant 32 : index
        %swap3A_225 = tpu.vector_load %arg17[%swap3A_223, %swap3A_224] {strides = array<i32>} : memref<80x128xf32, #tpu.memory_space<vmem>>, vector<1x16xf32>,
        %swap3A_226 = vector.shape_cast %swap3A_225 : vector<1x16xf32> to vector<16xf32>
        %swap3A_227 = vector.shape_cast %max3A_222 : vector<16xf32> to vector<1x16xf32>
        tpu.vector_store %arg17[%swap3A_223, %swap3A_224], %swap3A_227 {strides = array<i32>} : memref<80x128xf32, #tpu.memory_space<vmem>>, vector<1x16xf32>,
        %get3A_228 = arith.index_cast %scan3A_164 : i32 to index
        %get3A_229 = arith.constant 48 : index
        %get3A_230 = tpu.vector_load %arg13[%get3A_228, %get3A_229] {strides = array<i32>} : memref<80x128xf32, #tpu.memory_space<vmem>>, vector<1x16xf32>,
        %get3A_231 = vector.shape_cast %get3A_230 : vector<1x16xf32> to vector<16xf32>
        %get3A_232 = arith.index_cast %scan3A_164 : i32 to index
        %get3A_233 = arith.constant 48 : index
        %get3A_234 = tpu.vector_load %arg15[%get3A_232, %get3A_233] {strides = array<i32>} : memref<80x128xf32, #tpu.memory_space<vmem>>, vector<1x16xf32>,
        %get3A_235 = vector.shape_cast %get3A_234 : vector<1x16xf32> to vector<16xf32>
        %add3A_236 = arith.addf %get3A_231, %get3A_235 : vector<16xf32>
        %get3A_237 = arith.index_cast %scan3A_164 : i32 to index
        %get3A_238 = arith.constant 48 : index
        %get3A_239 = tpu.vector_load %arg11[%get3A_237, %get3A_238] {strides = array<i32>} : memref<80x128xf32, #tpu.memory_space<vmem>>, vector<1x16xf32>,
        %get3A_240 = vector.shape_cast %get3A_239 : vector<1x16xf32> to vector<16xf32>
        %add3A_241 = arith.addf %add3A_236, %get3A_240 : vector<16xf32>
        %max3A_242 = arith.constant 0.000000e+00 : f32
        %max3A_243 = vector.broadcast %max3A_242 : f32 to vector<16xf32>
        %max3A_244 = arith.maximumf %add3A_241, %max3A_243 : vector<16xf32>
        %swap3A_245 = arith.index_cast %scan3A_164 : i32 to index
        %swap3A_246 = arith.constant 48 : index
        %swap3A_247 = tpu.vector_load %arg17[%swap3A_245, %swap3A_246] {strides = array<i32>} : memref<80x128xf32, #tpu.memory_space<vmem>>, vector<1x16xf32>,
        %swap3A_248 = vector.shape_cast %swap3A_247 : vector<1x16xf32> to vector<16xf32>
        %swap3A_249 = vector.shape_cast %max3A_244 : vector<16xf32> to vector<1x16xf32>
        tpu.vector_store %arg17[%swap3A_245, %swap3A_246], %swap3A_249 {strides = array<i32>} : memref<80x128xf32, #tpu.memory_space<vmem>>, vector<1x16xf32>,
        %get3A_250 = arith.index_cast %scan3A_164 : i32 to index
        %get3A_251 = arith.constant 64 : index
        %get3A_252 = tpu.vector_load %arg13[%get3A_250, %get3A_251] {strides = array<i32>} : memref<80x128xf32, #tpu.memory_space<vmem>>, vector<1x16xf32>,
        %get3A_253 = vector.shape_cast %get3A_252 : vector<1x16xf32> to vector<16xf32>
        %get3A_254 = arith.index_cast %scan3A_164 : i32 to index
        %get3A_255 = arith.constant 64 : index
        %get3A_256 = tpu.vector_load %arg15[%get3A_254, %get3A_255] {strides = array<i32>} : memref<80x128xf32, #tpu.memory_space<vmem>>, vector<1x16xf32>,
        %get3A_257 = vector.shape_cast %get3A_256 : vector<1x16xf32> to vector<16xf32>
        %add3A_258 = arith.addf %get3A_253, %get3A_257 : vector<16xf32>
        %get3A_259 = arith.index_cast %scan3A_164 : i32 to index
        %get3A_260 = arith.constant 64 : index
        %get3A_261 = tpu.vector_load %arg11[%get3A_259, %get3A_260] {strides = array<i32>} : memref<80x128xf32, #tpu.memory_space<vmem>>, vector<1x16xf32>,
        %get3A_262 = vector.shape_cast %get3A_261 : vector<1x16xf32> to vector<16xf32>
        %add3A_263 = arith.addf %add3A_258, %get3A_262 : vector<16xf32>
        %max3A_264 = arith.constant 0.000000e+00 : f32
        %max3A_265 = vector.broadcast %max3A_264 : f32 to vector<16xf32>
        %max3A_266 = arith.maximumf %add3A_263, %max3A_265 : vector<16xf32>
        %swap3A_267 = arith.index_cast %scan3A_164 : i32 to index
        %swap3A_268 = arith.constant 64 : index
        %swap3A_269 = tpu.vector_load %arg17[%swap3A_267, %swap3A_268] {strides = array<i32>} : memref<80x128xf32, #tpu.memory_space<vmem>>, vector<1x16xf32>,
        %swap3A_270 = vector.shape_cast %swap3A_269 : vector<1x16xf32> to vector<16xf32>
        %swap3A_271 = vector.shape_cast %max3A_266 : vector<16xf32> to vector<1x16xf32>
        tpu.vector_store %arg17[%swap3A_267, %swap3A_268], %swap3A_271 {strides = array<i32>} : memref<80x128xf32, #tpu.memory_space<vmem>>, vector<1x16xf32>,
        %get3A_272 = arith.index_cast %scan3A_164 : i32 to index
        %get3A_273 = arith.constant 80 : index
        %get3A_274 = tpu.vector_load %arg13[%get3A_272, %get3A_273] {strides = array<i32>} : memref<80x128xf32, #tpu.memory_space<vmem>>, vector<1x16xf32>,
        %get3A_275 = vector.shape_cast %get3A_274 : vector<1x16xf32> to vector<16xf32>
        %get3A_276 = arith.index_cast %scan3A_164 : i32 to index
        %get3A_277 = arith.constant 80 : index
        %get3A_278 = tpu.vector_load %arg15[%get3A_276, %get3A_277] {strides = array<i32>} : memref<80x128xf32, #tpu.memory_space<vmem>>, vector<1x16xf32>,
        %get3A_279 = vector.shape_cast %get3A_278 : vector<1x16xf32> to vector<16xf32>
        %add3A_280 = arith.addf %get3A_275, %get3A_279 : vector<16xf32>
        %get3A_281 = arith.index_cast %scan3A_164 : i32 to index
        %get3A_282 = arith.constant 80 : index
        %get3A_283 = tpu.vector_load %arg11[%get3A_281, %get3A_282] {strides = array<i32>} : memref<80x128xf32, #tpu.memory_space<vmem>>, vector<1x16xf32>,
        %get3A_284 = vector.shape_cast %get3A_283 : vector<1x16xf32> to vector<16xf32>
        %add3A_285 = arith.addf %add3A_280, %get3A_284 : vector<16xf32>
        %max3A_286 = arith.constant 0.000000e+00 : f32
        %max3A_287 = vector.broadcast %max3A_286 : f32 to vector<16xf32>
        %max3A_288 = arith.maximumf %add3A_285, %max3A_287 : vector<16xf32>
        %swap3A_289 = arith.index_cast %scan3A_164 : i32 to index
        %swap3A_290 = arith.constant 80 : index
        %swap3A_291 = tpu.vector_load %arg17[%swap3A_289, %swap3A_290] {strides = array<i32>} : memref<80x128xf32, #tpu.memory_space<vmem>>, vector<1x16xf32>,
        %swap3A_292 = vector.shape_cast %swap3A_291 : vector<1x16xf32> to vector<16xf32>
        %swap3A_293 = vector.shape_cast %max3A_288 : vector<16xf32> to vector<1x16xf32>
        tpu.vector_store %arg17[%swap3A_289, %swap3A_290], %swap3A_293 {strides = array<i32>} : memref<80x128xf32, #tpu.memory_space<vmem>>, vector<1x16xf32>,
        %get3A_294 = arith.index_cast %scan3A_164 : i32 to index
        %get3A_295 = arith.constant 96 : index
        %get3A_296 = tpu.vector_load %arg13[%get3A_294, %get3A_295] {strides = array<i32>} : memref<80x128xf32, #tpu.memory_space<vmem>>, vector<1x16xf32>,
        %get3A_297 = vector.shape_cast %get3A_296 : vector<1x16xf32> to vector<16xf32>
        %get3A_298 = arith.index_cast %scan3A_164 : i32 to index
        %get3A_299 = arith.constant 96 : index
        %get3A_300 = tpu.vector_load %arg15[%get3A_298, %get3A_299] {strides = array<i32>} : memref<80x128xf32, #tpu.memory_space<vmem>>, vector<1x16xf32>,
        %get3A_301 = vector.shape_cast %get3A_300 : vector<1x16xf32> to vector<16xf32>
        %add3A_302 = arith.addf %get3A_297, %get3A_301 : vector<16xf32>
        %get3A_303 = arith.index_cast %scan3A_164 : i32 to index
        %get3A_304 = arith.constant 96 : index
        %get3A_305 = tpu.vector_load %arg11[%get3A_303, %get3A_304] {strides = array<i32>} : memref<80x128xf32, #tpu.memory_space<vmem>>, vector<1x16xf32>,
        %get3A_306 = vector.shape_cast %get3A_305 : vector<1x16xf32> to vector<16xf32>
        %add3A_307 = arith.addf %add3A_302, %get3A_306 : vector<16xf32>
        %max3A_308 = arith.constant 0.000000e+00 : f32
        %max3A_309 = vector.broadcast %max3A_308 : f32 to vector<16xf32>
        %max3A_310 = arith.maximumf %add3A_307, %max3A_309 : vector<16xf32>
        %swap3A_311 = arith.index_cast %scan3A_164 : i32 to index
        %swap3A_312 = arith.constant 96 : index
        %swap3A_313 = tpu.vector_load %arg17[%swap3A_311, %swap3A_312] {strides = array<i32>} : memref<80x128xf32, #tpu.memory_space<vmem>>, vector<1x16xf32>,
        %swap3A_314 = vector.shape_cast %swap3A_313 : vector<1x16xf32> to vector<16xf32>
        %swap3A_315 = vector.shape_cast %max3A_310 : vector<16xf32> to vector<1x16xf32>
        tpu.vector_store %arg17[%swap3A_311, %swap3A_312], %swap3A_315 {strides = array<i32>} : memref<80x128xf32, #tpu.memory_space<vmem>>, vector<1x16xf32>,
        %get3A_316 = arith.index_cast %scan3A_164 : i32 to index
        %get3A_317 = arith.constant 112 : index
        %get3A_318 = tpu.vector_load %arg13[%get3A_316, %get3A_317] {strides = array<i32>} : memref<80x128xf32, #tpu.memory_space<vmem>>, vector<1x16xf32>,
        %get3A_319 = vector.shape_cast %get3A_318 : vector<1x16xf32> to vector<16xf32>
        %get3A_320 = arith.index_cast %scan3A_164 : i32 to index
        %get3A_321 = arith.constant 112 : index
        %get3A_322 = tpu.vector_load %arg15[%get3A_320, %get3A_321] {strides = array<i32>} : memref<80x128xf32, #tpu.memory_space<vmem>>, vector<1x16xf32>,
        %get3A_323 = vector.shape_cast %get3A_322 : vector<1x16xf32> to vector<16xf32>
        %add3A_324 = arith.addf %get3A_319, %get3A_323 : vector<16xf32>
        %get3A_325 = arith.index_cast %scan3A_164 : i32 to index
        %get3A_326 = arith.constant 112 : index
        %get3A_327 = tpu.vector_load %arg11[%get3A_325, %get3A_326] {strides = array<i32>} : memref<80x128xf32, #tpu.memory_space<vmem>>, vector<1x16xf32>,
        %get3A_328 = vector.shape_cast %get3A_327 : vector<1x16xf32> to vector<16xf32>
        %add3A_329 = arith.addf %add3A_324, %get3A_328 : vector<16xf32>
        %max3A_330 = arith.constant 0.000000e+00 : f32
        %max3A_331 = vector.broadcast %max3A_330 : f32 to vector<16xf32>
        %max3A_332 = arith.maximumf %add3A_329, %max3A_331 : vector<16xf32>
        %swap3A_333 = arith.index_cast %scan3A_164 : i32 to index
        %swap3A_334 = arith.constant 112 : index
        %swap3A_335 = tpu.vector_load %arg17[%swap3A_333, %swap3A_334] {strides = array<i32>} : memref<80x128xf32, #tpu.memory_space<vmem>>, vector<1x16xf32>,
        %swap3A_336 = vector.shape_cast %swap3A_335 : vector<1x16xf32> to vector<16xf32>
        %swap3A_337 = vector.shape_cast %max3A_332 : vector<16xf32> to vector<1x16xf32>
        tpu.vector_store %arg17[%swap3A_333, %swap3A_334], %swap3A_337 {strides = array<i32>} : memref<80x128xf32, #tpu.memory_space<vmem>>, vector<1x16xf32>,
      }
      %scan3A_108 = arith.constant 80 : i32
      %mul3A_109 = arith.constant 80 : i32
      %mul3A_110 = arith.muli %add3A_88, %mul3A_109 : i32
      %dma_start3A_111 = arith.constant 0 : i32
      %dma_start3A_112 = tpu.memref_slice %arg6[%mul3A_110, %dma_start3A_111] : memref<320000x128xf32, #tpu.memory_space<hbm>> -> memref<80x128xf32, #tpu.memory_space<hbm>>
      %dma_start3A_113 = arith.constant 0 : i32
      %dma_start3A_114 = tpu.memref_slice %arg6[%mul3A_110, %dma_start3A_113] : memref<320000x128xf32, #tpu.memory_space<hbm>> -> memref<80x128xf32, #tpu.memory_space<hbm>>
      tpu.enqueue_dma source(%arg17 : memref<80x128xf32, #tpu.memory_space<vmem>>) target(%dma_start3A_114 : memref<80x128xf32, #tpu.memory_space<hbm>>) target_semaphore(%arg21 : memref<!tpu.dma_semaphore, #tpu.memory_space<semaphore_mem>>)
      %add3A_115 = arith.constant 0 : i32
      %add3A_116 = arith.addi %mul3A_85, %add3A_115 : i32
      %add3A_117 = arith.constant 2 : i32
      %add3A_118 = arith.addi %add3A_116, %add3A_117 : i32
      %lt3A = arith.constant 125 : i32
      %lt3A_119 = arith.cmpi slt, %add3A_118, %lt3A : i32
      %convert_element_type3A_120 = arith.extui %lt3A_119 : i1 to i32
      %cond3A_121 = arith.constant 0 : i32
      %cond3A_122 = arith.cmpi ne, %convert_element_type3A_120, %cond3A_121 : i32
      scf.if %cond3A_122 {
        %add3A_164 = arith.constant 2 : i32
        %add3A_165 = arith.addi %add3A_88, %add3A_164 : i32
        %mul3A_166 = arith.constant 80 : i32
        %mul3A_167 = arith.muli %add3A_165, %mul3A_166 : i32
        "tpu.region"() ({
          %run_scoped3A = tpu.sem_alloc : memref<!tpu.dma_semaphore, #tpu.memory_space<semaphore_mem>>
          %dma_start3A_178 = tpu.memref_slice %arg3[%mul3A_167] : memref<320000xi32, #tpu.memory_space<hbm>> -> memref<80xi32, #tpu.memory_space<hbm>>
          %dma_start3A_179 = tpu.memref_slice %arg3[%mul3A_167] : memref<320000xi32, #tpu.memory_space<hbm>> -> memref<80xi32, #tpu.memory_space<hbm>>
          tpu.enqueue_dma source(%dma_start3A_179 : memref<80xi32, #tpu.memory_space<hbm>>) target(%arg7 : memref<80xi32, #tpu.memory_space<vmem>>) target_semaphore(%run_scoped3A : memref<!tpu.dma_semaphore, #tpu.memory_space<semaphore_mem>>)
          %dma_wait3A_180 = tpu.memref_slice %arg3[%mul3A_167] : memref<320000xi32, #tpu.memory_space<hbm>> -> memref<80xi32, #tpu.memory_space<hbm>>
          %dma_wait3A_181 = tpu.memref_slice %arg3[%mul3A_167] : memref<320000xi32, #tpu.memory_space<hbm>> -> memref<80xi32, #tpu.memory_space<hbm>>
          tpu.wait_dma2 semaphore(%run_scoped3A : memref<!tpu.dma_semaphore, #tpu.memory_space<semaphore_mem>>) src(%dma_wait3A_181 : memref<80xi32, #tpu.memory_space<hbm>>) dst(%arg7 : memref<80xi32, #tpu.memory_space<vmem>>)
          tpu.yield
        }) : () -> ()
        "tpu.region"() ({
          %run_scoped3A = tpu.sem_alloc : memref<!tpu.dma_semaphore, #tpu.memory_space<semaphore_mem>>
          %dma_start3A_178 = tpu.memref_slice %arg4[%mul3A_167] : memref<320000xi32, #tpu.memory_space<hbm>> -> memref<80xi32, #tpu.memory_space<hbm>>
          %dma_start3A_179 = tpu.memref_slice %arg4[%mul3A_167] : memref<320000xi32, #tpu.memory_space<hbm>> -> memref<80xi32, #tpu.memory_space<hbm>>
          tpu.enqueue_dma source(%dma_start3A_179 : memref<80xi32, #tpu.memory_space<hbm>>) target(%arg9 : memref<80xi32, #tpu.memory_space<vmem>>) target_semaphore(%run_scoped3A : memref<!tpu.dma_semaphore, #tpu.memory_space<semaphore_mem>>)
          %dma_wait3A_180 = tpu.memref_slice %arg4[%mul3A_167] : memref<320000xi32, #tpu.memory_space<hbm>> -> memref<80xi32, #tpu.memory_space<hbm>>
          %dma_wait3A_181 = tpu.memref_slice %arg4[%mul3A_167] : memref<320000xi32, #tpu.memory_space<hbm>> -> memref<80xi32, #tpu.memory_space<hbm>>
          tpu.wait_dma2 semaphore(%run_scoped3A : memref<!tpu.dma_semaphore, #tpu.memory_space<semaphore_mem>>) src(%dma_wait3A_181 : memref<80xi32, #tpu.memory_space<hbm>>) dst(%arg9 : memref<80xi32, #tpu.memory_space<vmem>>)
          tpu.yield
        }) : () -> ()
        %dma_start3A_168 = arith.constant 0 : i32
        %dma_start3A_169 = arith.constant 0 : i32
        %dma_start3A_170 = tpu.memref_slice %arg2[%dma_start3A_168, %dma_start3A_169] : memref<10000x128xf32, #tpu.memory_space<hbm>> -> memref<10000x128xf32, #tpu.memory_space<hbm>>
        tpu.enqueue_indirect_dma source(%dma_start3A_170 : memref<10000x128xf32, #tpu.memory_space<hbm>>) target(%arg13 : memref<80x128xf32, #tpu.memory_space<vmem>>) offsets(%arg7 : memref<80xi32, #tpu.memory_space<vmem>>) semaphore(%arg19 : memref<!tpu.dma_semaphore, #tpu.memory_space<semaphore_mem>>)
        %dma_start3A_171 = arith.constant 0 : i32
        %dma_start3A_172 = arith.constant 0 : i32
        %dma_start3A_173 = tpu.memref_slice %arg2[%dma_start3A_171, %dma_start3A_172] : memref<10000x128xf32, #tpu.memory_space<hbm>> -> memref<10000x128xf32, #tpu.memory_space<hbm>>
        tpu.enqueue_indirect_dma source(%dma_start3A_173 : memref<10000x128xf32, #tpu.memory_space<hbm>>) target(%arg15 : memref<80x128xf32, #tpu.memory_space<vmem>>) offsets(%arg9 : memref<80xi32, #tpu.memory_space<vmem>>) semaphore(%arg19 : memref<!tpu.dma_semaphore, #tpu.memory_space<semaphore_mem>>)
        %dma_start3A_174 = arith.constant 0 : i32
        %dma_start3A_175 = tpu.memref_slice %arg5[%mul3A_167, %dma_start3A_174] : memref<320000x128xf32, #tpu.memory_space<hbm>> -> memref<80x128xf32, #tpu.memory_space<hbm>>
        %dma_start3A_176 = arith.constant 0 : i32
        %dma_start3A_177 = tpu.memref_slice %arg5[%mul3A_167, %dma_start3A_176] : memref<320000x128xf32, #tpu.memory_space<hbm>> -> memref<80x128xf32, #tpu.memory_space<hbm>>
        tpu.enqueue_dma source(%dma_start3A_177 : memref<80x128xf32, #tpu.memory_space<hbm>>) target(%arg11 : memref<80x128xf32, #tpu.memory_space<vmem>>) target_semaphore(%arg19 : memref<!tpu.dma_semaphore, #tpu.memory_space<semaphore_mem>>)
      } else {
      }
      %add3A_123 = arith.addi %mul3A_2, %mul3A_85 : i32
      %add3A_124 = arith.constant 1 : i32
      %add3A_125 = arith.addi %add3A_123, %add3A_124 : i32
      %mul3A_126 = arith.constant 80 : i32
      %mul3A_127 = arith.muli %add3A_125, %mul3A_126 : i32
      %dma_wait3A_128 = arith.constant 0 : i32
      %dma_wait3A_129 = arith.constant 0 : i32
      %dma_wait3A_130 = tpu.memref_slice %arg2[%dma_wait3A_128, %dma_wait3A_129] : memref<10000x128xf32, #tpu.memory_space<hbm>> -> memref<10000x128xf32, #tpu.memory_space<hbm>>
      tpu.wait_indirect_dma semaphore(%arg20 : memref<!tpu.dma_semaphore, #tpu.memory_space<semaphore_mem>>) src(%dma_wait3A_130 : memref<10000x128xf32, #tpu.memory_space<hbm>>) dst(%arg14 : memref<80x128xf32, #tpu.memory_space<vmem>>)
      %dma_wait3A_131 = arith.constant 0 : i32
      %dma_wait3A_132 = arith.constant 0 : i32
      %dma_wait3A_133 = tpu.memref_slice %arg2[%dma_wait3A_131, %dma_wait3A_132] : memref<10000x128xf32, #tpu.memory_space<hbm>> -> memref<10000x128xf32, #tpu.memory_space<hbm>>
      tpu.wait_indirect_dma semaphore(%arg20 : memref<!tpu.dma_semaphore, #tpu.memory_space<semaphore_mem>>) src(%dma_wait3A_133 : memref<10000x128xf32, #tpu.memory_space<hbm>>) dst(%arg16 : memref<80x128xf32, #tpu.memory_space<vmem>>)
      %dma_wait3A_134 = arith.constant 0 : i32
      %dma_wait3A_135 = tpu.memref_slice %arg5[%mul3A_127, %dma_wait3A_134] : memref<320000x128xf32, #tpu.memory_space<hbm>> -> memref<80x128xf32, #tpu.memory_space<hbm>>
      %dma_wait3A_136 = arith.constant 0 : i32
      %dma_wait3A_137 = tpu.memref_slice %arg5[%mul3A_127, %dma_wait3A_136] : memref<320000x128xf32, #tpu.memory_space<hbm>> -> memref<80x128xf32, #tpu.memory_space<hbm>>
      tpu.wait_dma2 semaphore(%arg20 : memref<!tpu.dma_semaphore, #tpu.memory_space<semaphore_mem>>) src(%dma_wait3A_137 : memref<80x128xf32, #tpu.memory_space<hbm>>) dst(%arg12 : memref<80x128xf32, #tpu.memory_space<vmem>>)
      %ge3A_138 = arith.constant 1 : i32
      %ge3A_139 = arith.cmpi sge, %scan3A_83, %ge3A_138 : i32
      %convert_element_type3A_140 = arith.extui %ge3A_139 : i1 to i32
      %cond3A_141 = arith.constant 0 : i32
      %cond3A_142 = arith.cmpi ne, %convert_element_type3A_140, %cond3A_141 : i32
      scf.if %cond3A_142 {
        %sub3A_164 = arith.constant 2 : i32
        %sub3A_165 = arith.subi %add3A_125, %sub3A_164 : i32
        %mul3A_166 = arith.constant 80 : i32
        %mul3A_167 = arith.muli %sub3A_165, %mul3A_166 : i32
        %dma_wait3A_168 = arith.constant 0 : i32
        %dma_wait3A_169 = tpu.memref_slice %arg6[%mul3A_167, %dma_wait3A_168] : memref<320000x128xf32, #tpu.memory_space<hbm>> -> memref<80x128xf32, #tpu.memory_space<hbm>>
        %dma_wait3A_170 = arith.constant 0 : i32
        %dma_wait3A_171 = tpu.memref_slice %arg6[%mul3A_167, %dma_wait3A_170] : memref<320000x128xf32, #tpu.memory_space<hbm>> -> memref<80x128xf32, #tpu.memory_space<hbm>>
        tpu.wait_dma2 semaphore(%arg22 : memref<!tpu.dma_semaphore, #tpu.memory_space<semaphore_mem>>) src(%arg18 : memref<80x128xf32, #tpu.memory_space<vmem>>) dst(%dma_wait3A_171 : memref<80x128xf32, #tpu.memory_space<hbm>>)
      } else {
      }
      %scan3A_143 = arith.constant 0 : i32
      %scan3A_144 = arith.constant 0 : i32
      %scan3A_145 = arith.constant 80 : i32
      %scan3A_146 = arith.addi %scan3A_144, %scan3A_145 : i32
      %scan3A_147 = arith.constant 1 : i32
      scf.for %scan3A_164 = %scan3A_144 to %scan3A_146 step %scan3A_147  : i32 {
        %get3A = arith.index_cast %scan3A_164 : i32 to index
        %get3A_165 = arith.constant 0 : index
        %get3A_166 = tpu.vector_load %arg14[%get3A, %get3A_165] {strides = array<i32>} : memref<80x128xf32, #tpu.memory_space<vmem>>, vector<1x16xf32>,
        %get3A_167 = vector.shape_cast %get3A_166 : vector<1x16xf32> to vector<16xf32>
        %get3A_168 = arith.index_cast %scan3A_164 : i32 to index
        %get3A_169 = arith.constant 0 : index
        %get3A_170 = tpu.vector_load %arg16[%get3A_168, %get3A_169] {strides = array<i32>} : memref<80x128xf32, #tpu.memory_space<vmem>>, vector<1x16xf32>,
        %get3A_171 = vector.shape_cast %get3A_170 : vector<1x16xf32> to vector<16xf32>
        %add3A_172 = arith.addf %get3A_167, %get3A_171 : vector<16xf32>
        %get3A_173 = arith.index_cast %scan3A_164 : i32 to index
        %get3A_174 = arith.constant 0 : index
        %get3A_175 = tpu.vector_load %arg12[%get3A_173, %get3A_174] {strides = array<i32>} : memref<80x128xf32, #tpu.memory_space<vmem>>, vector<1x16xf32>,
        %get3A_176 = vector.shape_cast %get3A_175 : vector<1x16xf32> to vector<16xf32>
        %add3A_177 = arith.addf %add3A_172, %get3A_176 : vector<16xf32>
        %max3A = arith.constant 0.000000e+00 : f32
        %max3A_178 = vector.broadcast %max3A : f32 to vector<16xf32>
        %max3A_179 = arith.maximumf %add3A_177, %max3A_178 : vector<16xf32>
        %swap3A = arith.index_cast %scan3A_164 : i32 to index
        %swap3A_180 = arith.constant 0 : index
        %swap3A_181 = tpu.vector_load %arg18[%swap3A, %swap3A_180] {strides = array<i32>} : memref<80x128xf32, #tpu.memory_space<vmem>>, vector<1x16xf32>,
        %swap3A_182 = vector.shape_cast %swap3A_181 : vector<1x16xf32> to vector<16xf32>
        %swap3A_183 = vector.shape_cast %max3A_179 : vector<16xf32> to vector<1x16xf32>
        tpu.vector_store %arg18[%swap3A, %swap3A_180], %swap3A_183 {strides = array<i32>} : memref<80x128xf32, #tpu.memory_space<vmem>>, vector<1x16xf32>,
        %get3A_184 = arith.index_cast %scan3A_164 : i32 to index
        %get3A_185 = arith.constant 16 : index
        %get3A_186 = tpu.vector_load %arg14[%get3A_184, %get3A_185] {strides = array<i32>} : memref<80x128xf32, #tpu.memory_space<vmem>>, vector<1x16xf32>,
        %get3A_187 = vector.shape_cast %get3A_186 : vector<1x16xf32> to vector<16xf32>
        %get3A_188 = arith.index_cast %scan3A_164 : i32 to index
        %get3A_189 = arith.constant 16 : index
        %get3A_190 = tpu.vector_load %arg16[%get3A_188, %get3A_189] {strides = array<i32>} : memref<80x128xf32, #tpu.memory_space<vmem>>, vector<1x16xf32>,
        %get3A_191 = vector.shape_cast %get3A_190 : vector<1x16xf32> to vector<16xf32>
        %add3A_192 = arith.addf %get3A_187, %get3A_191 : vector<16xf32>
        %get3A_193 = arith.index_cast %scan3A_164 : i32 to index
        %get3A_194 = arith.constant 16 : index
        %get3A_195 = tpu.vector_load %arg12[%get3A_193, %get3A_194] {strides = array<i32>} : memref<80x128xf32, #tpu.memory_space<vmem>>, vector<1x16xf32>,
        %get3A_196 = vector.shape_cast %get3A_195 : vector<1x16xf32> to vector<16xf32>
        %add3A_197 = arith.addf %add3A_192, %get3A_196 : vector<16xf32>
        %max3A_198 = arith.constant 0.000000e+00 : f32
        %max3A_199 = vector.broadcast %max3A_198 : f32 to vector<16xf32>
        %max3A_200 = arith.maximumf %add3A_197, %max3A_199 : vector<16xf32>
        %swap3A_201 = arith.index_cast %scan3A_164 : i32 to index
        %swap3A_202 = arith.constant 16 : index
        %swap3A_203 = tpu.vector_load %arg18[%swap3A_201, %swap3A_202] {strides = array<i32>} : memref<80x128xf32, #tpu.memory_space<vmem>>, vector<1x16xf32>,
        %swap3A_204 = vector.shape_cast %swap3A_203 : vector<1x16xf32> to vector<16xf32>
        %swap3A_205 = vector.shape_cast %max3A_200 : vector<16xf32> to vector<1x16xf32>
        tpu.vector_store %arg18[%swap3A_201, %swap3A_202], %swap3A_205 {strides = array<i32>} : memref<80x128xf32, #tpu.memory_space<vmem>>, vector<1x16xf32>,
        %get3A_206 = arith.index_cast %scan3A_164 : i32 to index
        %get3A_207 = arith.constant 32 : index
        %get3A_208 = tpu.vector_load %arg14[%get3A_206, %get3A_207] {strides = array<i32>} : memref<80x128xf32, #tpu.memory_space<vmem>>, vector<1x16xf32>,
        %get3A_209 = vector.shape_cast %get3A_208 : vector<1x16xf32> to vector<16xf32>
        %get3A_210 = arith.index_cast %scan3A_164 : i32 to index
        %get3A_211 = arith.constant 32 : index
        %get3A_212 = tpu.vector_load %arg16[%get3A_210, %get3A_211] {strides = array<i32>} : memref<80x128xf32, #tpu.memory_space<vmem>>, vector<1x16xf32>,
        %get3A_213 = vector.shape_cast %get3A_212 : vector<1x16xf32> to vector<16xf32>
        %add3A_214 = arith.addf %get3A_209, %get3A_213 : vector<16xf32>
        %get3A_215 = arith.index_cast %scan3A_164 : i32 to index
        %get3A_216 = arith.constant 32 : index
        %get3A_217 = tpu.vector_load %arg12[%get3A_215, %get3A_216] {strides = array<i32>} : memref<80x128xf32, #tpu.memory_space<vmem>>, vector<1x16xf32>,
        %get3A_218 = vector.shape_cast %get3A_217 : vector<1x16xf32> to vector<16xf32>
        %add3A_219 = arith.addf %add3A_214, %get3A_218 : vector<16xf32>
        %max3A_220 = arith.constant 0.000000e+00 : f32
        %max3A_221 = vector.broadcast %max3A_220 : f32 to vector<16xf32>
        %max3A_222 = arith.maximumf %add3A_219, %max3A_221 : vector<16xf32>
        %swap3A_223 = arith.index_cast %scan3A_164 : i32 to index
        %swap3A_224 = arith.constant 32 : index
        %swap3A_225 = tpu.vector_load %arg18[%swap3A_223, %swap3A_224] {strides = array<i32>} : memref<80x128xf32, #tpu.memory_space<vmem>>, vector<1x16xf32>,
        %swap3A_226 = vector.shape_cast %swap3A_225 : vector<1x16xf32> to vector<16xf32>
        %swap3A_227 = vector.shape_cast %max3A_222 : vector<16xf32> to vector<1x16xf32>
        tpu.vector_store %arg18[%swap3A_223, %swap3A_224], %swap3A_227 {strides = array<i32>} : memref<80x128xf32, #tpu.memory_space<vmem>>, vector<1x16xf32>,
        %get3A_228 = arith.index_cast %scan3A_164 : i32 to index
        %get3A_229 = arith.constant 48 : index
        %get3A_230 = tpu.vector_load %arg14[%get3A_228, %get3A_229] {strides = array<i32>} : memref<80x128xf32, #tpu.memory_space<vmem>>, vector<1x16xf32>,
        %get3A_231 = vector.shape_cast %get3A_230 : vector<1x16xf32> to vector<16xf32>
        %get3A_232 = arith.index_cast %scan3A_164 : i32 to index
        %get3A_233 = arith.constant 48 : index
        %get3A_234 = tpu.vector_load %arg16[%get3A_232, %get3A_233] {strides = array<i32>} : memref<80x128xf32, #tpu.memory_space<vmem>>, vector<1x16xf32>,
        %get3A_235 = vector.shape_cast %get3A_234 : vector<1x16xf32> to vector<16xf32>
        %add3A_236 = arith.addf %get3A_231, %get3A_235 : vector<16xf32>
        %get3A_237 = arith.index_cast %scan3A_164 : i32 to index
        %get3A_238 = arith.constant 48 : index
        %get3A_239 = tpu.vector_load %arg12[%get3A_237, %get3A_238] {strides = array<i32>} : memref<80x128xf32, #tpu.memory_space<vmem>>, vector<1x16xf32>,
        %get3A_240 = vector.shape_cast %get3A_239 : vector<1x16xf32> to vector<16xf32>
        %add3A_241 = arith.addf %add3A_236, %get3A_240 : vector<16xf32>
        %max3A_242 = arith.constant 0.000000e+00 : f32
        %max3A_243 = vector.broadcast %max3A_242 : f32 to vector<16xf32>
        %max3A_244 = arith.maximumf %add3A_241, %max3A_243 : vector<16xf32>
        %swap3A_245 = arith.index_cast %scan3A_164 : i32 to index
        %swap3A_246 = arith.constant 48 : index
        %swap3A_247 = tpu.vector_load %arg18[%swap3A_245, %swap3A_246] {strides = array<i32>} : memref<80x128xf32, #tpu.memory_space<vmem>>, vector<1x16xf32>,
        %swap3A_248 = vector.shape_cast %swap3A_247 : vector<1x16xf32> to vector<16xf32>
        %swap3A_249 = vector.shape_cast %max3A_244 : vector<16xf32> to vector<1x16xf32>
        tpu.vector_store %arg18[%swap3A_245, %swap3A_246], %swap3A_249 {strides = array<i32>} : memref<80x128xf32, #tpu.memory_space<vmem>>, vector<1x16xf32>,
        %get3A_250 = arith.index_cast %scan3A_164 : i32 to index
        %get3A_251 = arith.constant 64 : index
        %get3A_252 = tpu.vector_load %arg14[%get3A_250, %get3A_251] {strides = array<i32>} : memref<80x128xf32, #tpu.memory_space<vmem>>, vector<1x16xf32>,
        %get3A_253 = vector.shape_cast %get3A_252 : vector<1x16xf32> to vector<16xf32>
        %get3A_254 = arith.index_cast %scan3A_164 : i32 to index
        %get3A_255 = arith.constant 64 : index
        %get3A_256 = tpu.vector_load %arg16[%get3A_254, %get3A_255] {strides = array<i32>} : memref<80x128xf32, #tpu.memory_space<vmem>>, vector<1x16xf32>,
        %get3A_257 = vector.shape_cast %get3A_256 : vector<1x16xf32> to vector<16xf32>
        %add3A_258 = arith.addf %get3A_253, %get3A_257 : vector<16xf32>
        %get3A_259 = arith.index_cast %scan3A_164 : i32 to index
        %get3A_260 = arith.constant 64 : index
        %get3A_261 = tpu.vector_load %arg12[%get3A_259, %get3A_260] {strides = array<i32>} : memref<80x128xf32, #tpu.memory_space<vmem>>, vector<1x16xf32>,
        %get3A_262 = vector.shape_cast %get3A_261 : vector<1x16xf32> to vector<16xf32>
        %add3A_263 = arith.addf %add3A_258, %get3A_262 : vector<16xf32>
        %max3A_264 = arith.constant 0.000000e+00 : f32
        %max3A_265 = vector.broadcast %max3A_264 : f32 to vector<16xf32>
        %max3A_266 = arith.maximumf %add3A_263, %max3A_265 : vector<16xf32>
        %swap3A_267 = arith.index_cast %scan3A_164 : i32 to index
        %swap3A_268 = arith.constant 64 : index
        %swap3A_269 = tpu.vector_load %arg18[%swap3A_267, %swap3A_268] {strides = array<i32>} : memref<80x128xf32, #tpu.memory_space<vmem>>, vector<1x16xf32>,
        %swap3A_270 = vector.shape_cast %swap3A_269 : vector<1x16xf32> to vector<16xf32>
        %swap3A_271 = vector.shape_cast %max3A_266 : vector<16xf32> to vector<1x16xf32>
        tpu.vector_store %arg18[%swap3A_267, %swap3A_268], %swap3A_271 {strides = array<i32>} : memref<80x128xf32, #tpu.memory_space<vmem>>, vector<1x16xf32>,
        %get3A_272 = arith.index_cast %scan3A_164 : i32 to index
        %get3A_273 = arith.constant 80 : index
        %get3A_274 = tpu.vector_load %arg14[%get3A_272, %get3A_273] {strides = array<i32>} : memref<80x128xf32, #tpu.memory_space<vmem>>, vector<1x16xf32>,
        %get3A_275 = vector.shape_cast %get3A_274 : vector<1x16xf32> to vector<16xf32>
        %get3A_276 = arith.index_cast %scan3A_164 : i32 to index
        %get3A_277 = arith.constant 80 : index
        %get3A_278 = tpu.vector_load %arg16[%get3A_276, %get3A_277] {strides = array<i32>} : memref<80x128xf32, #tpu.memory_space<vmem>>, vector<1x16xf32>,
        %get3A_279 = vector.shape_cast %get3A_278 : vector<1x16xf32> to vector<16xf32>
        %add3A_280 = arith.addf %get3A_275, %get3A_279 : vector<16xf32>
        %get3A_281 = arith.index_cast %scan3A_164 : i32 to index
        %get3A_282 = arith.constant 80 : index
        %get3A_283 = tpu.vector_load %arg12[%get3A_281, %get3A_282] {strides = array<i32>} : memref<80x128xf32, #tpu.memory_space<vmem>>, vector<1x16xf32>,
        %get3A_284 = vector.shape_cast %get3A_283 : vector<1x16xf32> to vector<16xf32>
        %add3A_285 = arith.addf %add3A_280, %get3A_284 : vector<16xf32>
        %max3A_286 = arith.constant 0.000000e+00 : f32
        %max3A_287 = vector.broadcast %max3A_286 : f32 to vector<16xf32>
        %max3A_288 = arith.maximumf %add3A_285, %max3A_287 : vector<16xf32>
        %swap3A_289 = arith.index_cast %scan3A_164 : i32 to index
        %swap3A_290 = arith.constant 80 : index
        %swap3A_291 = tpu.vector_load %arg18[%swap3A_289, %swap3A_290] {strides = array<i32>} : memref<80x128xf32, #tpu.memory_space<vmem>>, vector<1x16xf32>,
        %swap3A_292 = vector.shape_cast %swap3A_291 : vector<1x16xf32> to vector<16xf32>
        %swap3A_293 = vector.shape_cast %max3A_288 : vector<16xf32> to vector<1x16xf32>
        tpu.vector_store %arg18[%swap3A_289, %swap3A_290], %swap3A_293 {strides = array<i32>} : memref<80x128xf32, #tpu.memory_space<vmem>>, vector<1x16xf32>,
        %get3A_294 = arith.index_cast %scan3A_164 : i32 to index
        %get3A_295 = arith.constant 96 : index
        %get3A_296 = tpu.vector_load %arg14[%get3A_294, %get3A_295] {strides = array<i32>} : memref<80x128xf32, #tpu.memory_space<vmem>>, vector<1x16xf32>,
        %get3A_297 = vector.shape_cast %get3A_296 : vector<1x16xf32> to vector<16xf32>
        %get3A_298 = arith.index_cast %scan3A_164 : i32 to index
        %get3A_299 = arith.constant 96 : index
        %get3A_300 = tpu.vector_load %arg16[%get3A_298, %get3A_299] {strides = array<i32>} : memref<80x128xf32, #tpu.memory_space<vmem>>, vector<1x16xf32>,
        %get3A_301 = vector.shape_cast %get3A_300 : vector<1x16xf32> to vector<16xf32>
        %add3A_302 = arith.addf %get3A_297, %get3A_301 : vector<16xf32>
        %get3A_303 = arith.index_cast %scan3A_164 : i32 to index
        %get3A_304 = arith.constant 96 : index
        %get3A_305 = tpu.vector_load %arg12[%get3A_303, %get3A_304] {strides = array<i32>} : memref<80x128xf32, #tpu.memory_space<vmem>>, vector<1x16xf32>,
        %get3A_306 = vector.shape_cast %get3A_305 : vector<1x16xf32> to vector<16xf32>
        %add3A_307 = arith.addf %add3A_302, %get3A_306 : vector<16xf32>
        %max3A_308 = arith.constant 0.000000e+00 : f32
        %max3A_309 = vector.broadcast %max3A_308 : f32 to vector<16xf32>
        %max3A_310 = arith.maximumf %add3A_307, %max3A_309 : vector<16xf32>
        %swap3A_311 = arith.index_cast %scan3A_164 : i32 to index
        %swap3A_312 = arith.constant 96 : index
        %swap3A_313 = tpu.vector_load %arg18[%swap3A_311, %swap3A_312] {strides = array<i32>} : memref<80x128xf32, #tpu.memory_space<vmem>>, vector<1x16xf32>,
        %swap3A_314 = vector.shape_cast %swap3A_313 : vector<1x16xf32> to vector<16xf32>
        %swap3A_315 = vector.shape_cast %max3A_310 : vector<16xf32> to vector<1x16xf32>
        tpu.vector_store %arg18[%swap3A_311, %swap3A_312], %swap3A_315 {strides = array<i32>} : memref<80x128xf32, #tpu.memory_space<vmem>>, vector<1x16xf32>,
        %get3A_316 = arith.index_cast %scan3A_164 : i32 to index
        %get3A_317 = arith.constant 112 : index
        %get3A_318 = tpu.vector_load %arg14[%get3A_316, %get3A_317] {strides = array<i32>} : memref<80x128xf32, #tpu.memory_space<vmem>>, vector<1x16xf32>,
        %get3A_319 = vector.shape_cast %get3A_318 : vector<1x16xf32> to vector<16xf32>
        %get3A_320 = arith.index_cast %scan3A_164 : i32 to index
        %get3A_321 = arith.constant 112 : index
        %get3A_322 = tpu.vector_load %arg16[%get3A_320, %get3A_321] {strides = array<i32>} : memref<80x128xf32, #tpu.memory_space<vmem>>, vector<1x16xf32>,
        %get3A_323 = vector.shape_cast %get3A_322 : vector<1x16xf32> to vector<16xf32>
        %add3A_324 = arith.addf %get3A_319, %get3A_323 : vector<16xf32>
        %get3A_325 = arith.index_cast %scan3A_164 : i32 to index
        %get3A_326 = arith.constant 112 : index
        %get3A_327 = tpu.vector_load %arg12[%get3A_325, %get3A_326] {strides = array<i32>} : memref<80x128xf32, #tpu.memory_space<vmem>>, vector<1x16xf32>,
        %get3A_328 = vector.shape_cast %get3A_327 : vector<1x16xf32> to vector<16xf32>
        %add3A_329 = arith.addf %add3A_324, %get3A_328 : vector<16xf32>
        %max3A_330 = arith.constant 0.000000e+00 : f32
        %max3A_331 = vector.broadcast %max3A_330 : f32 to vector<16xf32>
        %max3A_332 = arith.maximumf %add3A_329, %max3A_331 : vector<16xf32>
        %swap3A_333 = arith.index_cast %scan3A_164 : i32 to index
        %swap3A_334 = arith.constant 112 : index
        %swap3A_335 = tpu.vector_load %arg18[%swap3A_333, %swap3A_334] {strides = array<i32>} : memref<80x128xf32, #tpu.memory_space<vmem>>, vector<1x16xf32>,
        %swap3A_336 = vector.shape_cast %swap3A_335 : vector<1x16xf32> to vector<16xf32>
        %swap3A_337 = vector.shape_cast %max3A_332 : vector<16xf32> to vector<1x16xf32>
        tpu.vector_store %arg18[%swap3A_333, %swap3A_334], %swap3A_337 {strides = array<i32>} : memref<80x128xf32, #tpu.memory_space<vmem>>, vector<1x16xf32>,
      }
      %scan3A_148 = arith.constant 80 : i32
      %mul3A_149 = arith.constant 80 : i32
      %mul3A_150 = arith.muli %add3A_125, %mul3A_149 : i32
      %dma_start3A_151 = arith.constant 0 : i32
      %dma_start3A_152 = tpu.memref_slice %arg6[%mul3A_150, %dma_start3A_151] : memref<320000x128xf32, #tpu.memory_space<hbm>> -> memref<80x128xf32, #tpu.memory_space<hbm>>
      %dma_start3A_153 = arith.constant 0 : i32
      %dma_start3A_154 = tpu.memref_slice %arg6[%mul3A_150, %dma_start3A_153] : memref<320000x128xf32, #tpu.memory_space<hbm>> -> memref<80x128xf32, #tpu.memory_space<hbm>>
      tpu.enqueue_dma source(%arg18 : memref<80x128xf32, #tpu.memory_space<vmem>>) target(%dma_start3A_154 : memref<80x128xf32, #tpu.memory_space<hbm>>) target_semaphore(%arg22 : memref<!tpu.dma_semaphore, #tpu.memory_space<semaphore_mem>>)
      %add3A_155 = arith.constant 1 : i32
      %add3A_156 = arith.addi %mul3A_85, %add3A_155 : i32
      %add3A_157 = arith.constant 2 : i32
      %add3A_158 = arith.addi %add3A_156, %add3A_157 : i32
      %lt3A_159 = arith.constant 125 : i32
      %lt3A_160 = arith.cmpi slt, %add3A_158, %lt3A_159 : i32
      %convert_element_type3A_161 = arith.extui %lt3A_160 : i1 to i32
      %cond3A_162 = arith.constant 0 : i32
      %cond3A_163 = arith.cmpi ne, %convert_element_type3A_161, %cond3A_162 : i32
      scf.if %cond3A_163 {
        %add3A_164 = arith.constant 2 : i32
        %add3A_165 = arith.addi %add3A_125, %add3A_164 : i32
        %mul3A_166 = arith.constant 80 : i32
        %mul3A_167 = arith.muli %add3A_165, %mul3A_166 : i32
        "tpu.region"() ({
          %run_scoped3A = tpu.sem_alloc : memref<!tpu.dma_semaphore, #tpu.memory_space<semaphore_mem>>
          %dma_start3A_178 = tpu.memref_slice %arg3[%mul3A_167] : memref<320000xi32, #tpu.memory_space<hbm>> -> memref<80xi32, #tpu.memory_space<hbm>>
          %dma_start3A_179 = tpu.memref_slice %arg3[%mul3A_167] : memref<320000xi32, #tpu.memory_space<hbm>> -> memref<80xi32, #tpu.memory_space<hbm>>
          tpu.enqueue_dma source(%dma_start3A_179 : memref<80xi32, #tpu.memory_space<hbm>>) target(%arg8 : memref<80xi32, #tpu.memory_space<vmem>>) target_semaphore(%run_scoped3A : memref<!tpu.dma_semaphore, #tpu.memory_space<semaphore_mem>>)
          %dma_wait3A_180 = tpu.memref_slice %arg3[%mul3A_167] : memref<320000xi32, #tpu.memory_space<hbm>> -> memref<80xi32, #tpu.memory_space<hbm>>
          %dma_wait3A_181 = tpu.memref_slice %arg3[%mul3A_167] : memref<320000xi32, #tpu.memory_space<hbm>> -> memref<80xi32, #tpu.memory_space<hbm>>
          tpu.wait_dma2 semaphore(%run_scoped3A : memref<!tpu.dma_semaphore, #tpu.memory_space<semaphore_mem>>) src(%dma_wait3A_181 : memref<80xi32, #tpu.memory_space<hbm>>) dst(%arg8 : memref<80xi32, #tpu.memory_space<vmem>>)
          tpu.yield
        }) : () -> ()
        "tpu.region"() ({
          %run_scoped3A = tpu.sem_alloc : memref<!tpu.dma_semaphore, #tpu.memory_space<semaphore_mem>>
          %dma_start3A_178 = tpu.memref_slice %arg4[%mul3A_167] : memref<320000xi32, #tpu.memory_space<hbm>> -> memref<80xi32, #tpu.memory_space<hbm>>
          %dma_start3A_179 = tpu.memref_slice %arg4[%mul3A_167] : memref<320000xi32, #tpu.memory_space<hbm>> -> memref<80xi32, #tpu.memory_space<hbm>>
          tpu.enqueue_dma source(%dma_start3A_179 : memref<80xi32, #tpu.memory_space<hbm>>) target(%arg10 : memref<80xi32, #tpu.memory_space<vmem>>) target_semaphore(%run_scoped3A : memref<!tpu.dma_semaphore, #tpu.memory_space<semaphore_mem>>)
          %dma_wait3A_180 = tpu.memref_slice %arg4[%mul3A_167] : memref<320000xi32, #tpu.memory_space<hbm>> -> memref<80xi32, #tpu.memory_space<hbm>>
          %dma_wait3A_181 = tpu.memref_slice %arg4[%mul3A_167] : memref<320000xi32, #tpu.memory_space<hbm>> -> memref<80xi32, #tpu.memory_space<hbm>>
          tpu.wait_dma2 semaphore(%run_scoped3A : memref<!tpu.dma_semaphore, #tpu.memory_space<semaphore_mem>>) src(%dma_wait3A_181 : memref<80xi32, #tpu.memory_space<hbm>>) dst(%arg10 : memref<80xi32, #tpu.memory_space<vmem>>)
          tpu.yield
        }) : () -> ()
        %dma_start3A_168 = arith.constant 0 : i32
        %dma_start3A_169 = arith.constant 0 : i32
        %dma_start3A_170 = tpu.memref_slice %arg2[%dma_start3A_168, %dma_start3A_169] : memref<10000x128xf32, #tpu.memory_space<hbm>> -> memref<10000x128xf32, #tpu.memory_space<hbm>>
        tpu.enqueue_indirect_dma source(%dma_start3A_170 : memref<10000x128xf32, #tpu.memory_space<hbm>>) target(%arg14 : memref<80x128xf32, #tpu.memory_space<vmem>>) offsets(%arg8 : memref<80xi32, #tpu.memory_space<vmem>>) semaphore(%arg20 : memref<!tpu.dma_semaphore, #tpu.memory_space<semaphore_mem>>)
        %dma_start3A_171 = arith.constant 0 : i32
        %dma_start3A_172 = arith.constant 0 : i32
        %dma_start3A_173 = tpu.memref_slice %arg2[%dma_start3A_171, %dma_start3A_172] : memref<10000x128xf32, #tpu.memory_space<hbm>> -> memref<10000x128xf32, #tpu.memory_space<hbm>>
        tpu.enqueue_indirect_dma source(%dma_start3A_173 : memref<10000x128xf32, #tpu.memory_space<hbm>>) target(%arg16 : memref<80x128xf32, #tpu.memory_space<vmem>>) offsets(%arg10 : memref<80xi32, #tpu.memory_space<vmem>>) semaphore(%arg20 : memref<!tpu.dma_semaphore, #tpu.memory_space<semaphore_mem>>)
        %dma_start3A_174 = arith.constant 0 : i32
        %dma_start3A_175 = tpu.memref_slice %arg5[%mul3A_167, %dma_start3A_174] : memref<320000x128xf32, #tpu.memory_space<hbm>> -> memref<80x128xf32, #tpu.memory_space<hbm>>
        %dma_start3A_176 = arith.constant 0 : i32
        %dma_start3A_177 = tpu.memref_slice %arg5[%mul3A_167, %dma_start3A_176] : memref<320000x128xf32, #tpu.memory_space<hbm>> -> memref<80x128xf32, #tpu.memory_space<hbm>>
        tpu.enqueue_dma source(%dma_start3A_177 : memref<80x128xf32, #tpu.memory_space<hbm>>) target(%arg12 : memref<80x128xf32, #tpu.memory_space<vmem>>) target_semaphore(%arg20 : memref<!tpu.dma_semaphore, #tpu.memory_space<semaphore_mem>>)
      } else {
      }
    }
    %scan3A_34 = arith.constant 62 : i32
    %add3A_35 = arith.constant 125 : i32
    %add3A_36 = arith.addi %mul3A_2, %add3A_35 : i32
    %sub3A = arith.constant 1 : i32
    %sub3A_37 = arith.subi %add3A_36, %sub3A : i32
    %mul3A_38 = arith.constant 80 : i32
    %mul3A_39 = arith.muli %sub3A_37, %mul3A_38 : i32
    %dma_wait3A = arith.constant 0 : i32
    %dma_wait3A_40 = arith.constant 0 : i32
    %dma_wait3A_41 = tpu.memref_slice %arg2[%dma_wait3A, %dma_wait3A_40] : memref<10000x128xf32, #tpu.memory_space<hbm>> -> memref<10000x128xf32, #tpu.memory_space<hbm>>
    tpu.wait_indirect_dma semaphore(%arg19 : memref<!tpu.dma_semaphore, #tpu.memory_space<semaphore_mem>>) src(%dma_wait3A_41 : memref<10000x128xf32, #tpu.memory_space<hbm>>) dst(%arg13 : memref<80x128xf32, #tpu.memory_space<vmem>>)
    %dma_wait3A_42 = arith.constant 0 : i32
    %dma_wait3A_43 = arith.constant 0 : i32
    %dma_wait3A_44 = tpu.memref_slice %arg2[%dma_wait3A_42, %dma_wait3A_43] : memref<10000x128xf32, #tpu.memory_space<hbm>> -> memref<10000x128xf32, #tpu.memory_space<hbm>>
    tpu.wait_indirect_dma semaphore(%arg19 : memref<!tpu.dma_semaphore, #tpu.memory_space<semaphore_mem>>) src(%dma_wait3A_44 : memref<10000x128xf32, #tpu.memory_space<hbm>>) dst(%arg15 : memref<80x128xf32, #tpu.memory_space<vmem>>)
    %dma_wait3A_45 = arith.constant 0 : i32
    %dma_wait3A_46 = tpu.memref_slice %arg5[%mul3A_39, %dma_wait3A_45] : memref<320000x128xf32, #tpu.memory_space<hbm>> -> memref<80x128xf32, #tpu.memory_space<hbm>>
    %dma_wait3A_47 = arith.constant 0 : i32
    %dma_wait3A_48 = tpu.memref_slice %arg5[%mul3A_39, %dma_wait3A_47] : memref<320000x128xf32, #tpu.memory_space<hbm>> -> memref<80x128xf32, #tpu.memory_space<hbm>>
    tpu.wait_dma2 semaphore(%arg19 : memref<!tpu.dma_semaphore, #tpu.memory_space<semaphore_mem>>) src(%dma_wait3A_48 : memref<80x128xf32, #tpu.memory_space<hbm>>) dst(%arg11 : memref<80x128xf32, #tpu.memory_space<vmem>>)
    %sub3A_49 = arith.constant 2 : i32
    %sub3A_50 = arith.subi %sub3A_37, %sub3A_49 : i32
    %mul3A_51 = arith.constant 80 : i32
    %mul3A_52 = arith.muli %sub3A_50, %mul3A_51 : i32
    %dma_wait3A_53 = arith.constant 0 : i32
    %dma_wait3A_54 = tpu.memref_slice %arg6[%mul3A_52, %dma_wait3A_53] : memref<320000x128xf32, #tpu.memory_space<hbm>> -> memref<80x128xf32, #tpu.memory_space<hbm>>
    %dma_wait3A_55 = arith.constant 0 : i32
    %dma_wait3A_56 = tpu.memref_slice %arg6[%mul3A_52, %dma_wait3A_55] : memref<320000x128xf32, #tpu.memory_space<hbm>> -> memref<80x128xf32, #tpu.memory_space<hbm>>
    tpu.wait_dma2 semaphore(%arg21 : memref<!tpu.dma_semaphore, #tpu.memory_space<semaphore_mem>>) src(%arg17 : memref<80x128xf32, #tpu.memory_space<vmem>>) dst(%dma_wait3A_56 : memref<80x128xf32, #tpu.memory_space<hbm>>)
    %scan3A_57 = arith.constant 0 : i32
    %scan3A_58 = arith.constant 0 : i32
    %scan3A_59 = arith.constant 80 : i32
    %scan3A_60 = arith.addi %scan3A_58, %scan3A_59 : i32
    %scan3A_61 = arith.constant 1 : i32
    scf.for %scan3A_83 = %scan3A_58 to %scan3A_60 step %scan3A_61  : i32 {
      %get3A = arith.index_cast %scan3A_83 : i32 to index
      %get3A_84 = arith.constant 0 : index
      %get3A_85 = tpu.vector_load %arg13[%get3A, %get3A_84] {strides = array<i32>} : memref<80x128xf32, #tpu.memory_space<vmem>>, vector<1x16xf32>,
      %get3A_86 = vector.shape_cast %get3A_85 : vector<1x16xf32> to vector<16xf32>
      %get3A_87 = arith.index_cast %scan3A_83 : i32 to index
      %get3A_88 = arith.constant 0 : index
      %get3A_89 = tpu.vector_load %arg15[%get3A_87, %get3A_88] {strides = array<i32>} : memref<80x128xf32, #tpu.memory_space<vmem>>, vector<1x16xf32>,
      %get3A_90 = vector.shape_cast %get3A_89 : vector<1x16xf32> to vector<16xf32>
      %add3A_91 = arith.addf %get3A_86, %get3A_90 : vector<16xf32>
      %get3A_92 = arith.index_cast %scan3A_83 : i32 to index
      %get3A_93 = arith.constant 0 : index
      %get3A_94 = tpu.vector_load %arg11[%get3A_92, %get3A_93] {strides = array<i32>} : memref<80x128xf32, #tpu.memory_space<vmem>>, vector<1x16xf32>,
      %get3A_95 = vector.shape_cast %get3A_94 : vector<1x16xf32> to vector<16xf32>
      %add3A_96 = arith.addf %add3A_91, %get3A_95 : vector<16xf32>
      %max3A = arith.constant 0.000000e+00 : f32
      %max3A_97 = vector.broadcast %max3A : f32 to vector<16xf32>
      %max3A_98 = arith.maximumf %add3A_96, %max3A_97 : vector<16xf32>
      %swap3A = arith.index_cast %scan3A_83 : i32 to index
      %swap3A_99 = arith.constant 0 : index
      %swap3A_100 = tpu.vector_load %arg17[%swap3A, %swap3A_99] {strides = array<i32>} : memref<80x128xf32, #tpu.memory_space<vmem>>, vector<1x16xf32>,
      %swap3A_101 = vector.shape_cast %swap3A_100 : vector<1x16xf32> to vector<16xf32>
      %swap3A_102 = vector.shape_cast %max3A_98 : vector<16xf32> to vector<1x16xf32>
      tpu.vector_store %arg17[%swap3A, %swap3A_99], %swap3A_102 {strides = array<i32>} : memref<80x128xf32, #tpu.memory_space<vmem>>, vector<1x16xf32>,
      %get3A_103 = arith.index_cast %scan3A_83 : i32 to index
      %get3A_104 = arith.constant 16 : index
      %get3A_105 = tpu.vector_load %arg13[%get3A_103, %get3A_104] {strides = array<i32>} : memref<80x128xf32, #tpu.memory_space<vmem>>, vector<1x16xf32>,
      %get3A_106 = vector.shape_cast %get3A_105 : vector<1x16xf32> to vector<16xf32>
      %get3A_107 = arith.index_cast %scan3A_83 : i32 to index
      %get3A_108 = arith.constant 16 : index
      %get3A_109 = tpu.vector_load %arg15[%get3A_107, %get3A_108] {strides = array<i32>} : memref<80x128xf32, #tpu.memory_space<vmem>>, vector<1x16xf32>,
      %get3A_110 = vector.shape_cast %get3A_109 : vector<1x16xf32> to vector<16xf32>
      %add3A_111 = arith.addf %get3A_106, %get3A_110 : vector<16xf32>
      %get3A_112 = arith.index_cast %scan3A_83 : i32 to index
      %get3A_113 = arith.constant 16 : index
      %get3A_114 = tpu.vector_load %arg11[%get3A_112, %get3A_113] {strides = array<i32>} : memref<80x128xf32, #tpu.memory_space<vmem>>, vector<1x16xf32>,
      %get3A_115 = vector.shape_cast %get3A_114 : vector<1x16xf32> to vector<16xf32>
      %add3A_116 = arith.addf %add3A_111, %get3A_115 : vector<16xf32>
      %max3A_117 = arith.constant 0.000000e+00 : f32
      %max3A_118 = vector.broadcast %max3A_117 : f32 to vector<16xf32>
      %max3A_119 = arith.maximumf %add3A_116, %max3A_118 : vector<16xf32>
      %swap3A_120 = arith.index_cast %scan3A_83 : i32 to index
      %swap3A_121 = arith.constant 16 : index
      %swap3A_122 = tpu.vector_load %arg17[%swap3A_120, %swap3A_121] {strides = array<i32>} : memref<80x128xf32, #tpu.memory_space<vmem>>, vector<1x16xf32>,
      %swap3A_123 = vector.shape_cast %swap3A_122 : vector<1x16xf32> to vector<16xf32>
      %swap3A_124 = vector.shape_cast %max3A_119 : vector<16xf32> to vector<1x16xf32>
      tpu.vector_store %arg17[%swap3A_120, %swap3A_121], %swap3A_124 {strides = array<i32>} : memref<80x128xf32, #tpu.memory_space<vmem>>, vector<1x16xf32>,
      %get3A_125 = arith.index_cast %scan3A_83 : i32 to index
      %get3A_126 = arith.constant 32 : index
      %get3A_127 = tpu.vector_load %arg13[%get3A_125, %get3A_126] {strides = array<i32>} : memref<80x128xf32, #tpu.memory_space<vmem>>, vector<1x16xf32>,
      %get3A_128 = vector.shape_cast %get3A_127 : vector<1x16xf32> to vector<16xf32>
      %get3A_129 = arith.index_cast %scan3A_83 : i32 to index
      %get3A_130 = arith.constant 32 : index
      %get3A_131 = tpu.vector_load %arg15[%get3A_129, %get3A_130] {strides = array<i32>} : memref<80x128xf32, #tpu.memory_space<vmem>>, vector<1x16xf32>,
      %get3A_132 = vector.shape_cast %get3A_131 : vector<1x16xf32> to vector<16xf32>
      %add3A_133 = arith.addf %get3A_128, %get3A_132 : vector<16xf32>
      %get3A_134 = arith.index_cast %scan3A_83 : i32 to index
      %get3A_135 = arith.constant 32 : index
      %get3A_136 = tpu.vector_load %arg11[%get3A_134, %get3A_135] {strides = array<i32>} : memref<80x128xf32, #tpu.memory_space<vmem>>, vector<1x16xf32>,
      %get3A_137 = vector.shape_cast %get3A_136 : vector<1x16xf32> to vector<16xf32>
      %add3A_138 = arith.addf %add3A_133, %get3A_137 : vector<16xf32>
      %max3A_139 = arith.constant 0.000000e+00 : f32
      %max3A_140 = vector.broadcast %max3A_139 : f32 to vector<16xf32>
      %max3A_141 = arith.maximumf %add3A_138, %max3A_140 : vector<16xf32>
      %swap3A_142 = arith.index_cast %scan3A_83 : i32 to index
      %swap3A_143 = arith.constant 32 : index
      %swap3A_144 = tpu.vector_load %arg17[%swap3A_142, %swap3A_143] {strides = array<i32>} : memref<80x128xf32, #tpu.memory_space<vmem>>, vector<1x16xf32>,
      %swap3A_145 = vector.shape_cast %swap3A_144 : vector<1x16xf32> to vector<16xf32>
      %swap3A_146 = vector.shape_cast %max3A_141 : vector<16xf32> to vector<1x16xf32>
      tpu.vector_store %arg17[%swap3A_142, %swap3A_143], %swap3A_146 {strides = array<i32>} : memref<80x128xf32, #tpu.memory_space<vmem>>, vector<1x16xf32>,
      %get3A_147 = arith.index_cast %scan3A_83 : i32 to index
      %get3A_148 = arith.constant 48 : index
      %get3A_149 = tpu.vector_load %arg13[%get3A_147, %get3A_148] {strides = array<i32>} : memref<80x128xf32, #tpu.memory_space<vmem>>, vector<1x16xf32>,
      %get3A_150 = vector.shape_cast %get3A_149 : vector<1x16xf32> to vector<16xf32>
      %get3A_151 = arith.index_cast %scan3A_83 : i32 to index
      %get3A_152 = arith.constant 48 : index
      %get3A_153 = tpu.vector_load %arg15[%get3A_151, %get3A_152] {strides = array<i32>} : memref<80x128xf32, #tpu.memory_space<vmem>>, vector<1x16xf32>,
      %get3A_154 = vector.shape_cast %get3A_153 : vector<1x16xf32> to vector<16xf32>
      %add3A_155 = arith.addf %get3A_150, %get3A_154 : vector<16xf32>
      %get3A_156 = arith.index_cast %scan3A_83 : i32 to index
      %get3A_157 = arith.constant 48 : index
      %get3A_158 = tpu.vector_load %arg11[%get3A_156, %get3A_157] {strides = array<i32>} : memref<80x128xf32, #tpu.memory_space<vmem>>, vector<1x16xf32>,
      %get3A_159 = vector.shape_cast %get3A_158 : vector<1x16xf32> to vector<16xf32>
      %add3A_160 = arith.addf %add3A_155, %get3A_159 : vector<16xf32>
      %max3A_161 = arith.constant 0.000000e+00 : f32
      %max3A_162 = vector.broadcast %max3A_161 : f32 to vector<16xf32>
      %max3A_163 = arith.maximumf %add3A_160, %max3A_162 : vector<16xf32>
      %swap3A_164 = arith.index_cast %scan3A_83 : i32 to index
      %swap3A_165 = arith.constant 48 : index
      %swap3A_166 = tpu.vector_load %arg17[%swap3A_164, %swap3A_165] {strides = array<i32>} : memref<80x128xf32, #tpu.memory_space<vmem>>, vector<1x16xf32>,
      %swap3A_167 = vector.shape_cast %swap3A_166 : vector<1x16xf32> to vector<16xf32>
      %swap3A_168 = vector.shape_cast %max3A_163 : vector<16xf32> to vector<1x16xf32>
      tpu.vector_store %arg17[%swap3A_164, %swap3A_165], %swap3A_168 {strides = array<i32>} : memref<80x128xf32, #tpu.memory_space<vmem>>, vector<1x16xf32>,
      %get3A_169 = arith.index_cast %scan3A_83 : i32 to index
      %get3A_170 = arith.constant 64 : index
      %get3A_171 = tpu.vector_load %arg13[%get3A_169, %get3A_170] {strides = array<i32>} : memref<80x128xf32, #tpu.memory_space<vmem>>, vector<1x16xf32>,
      %get3A_172 = vector.shape_cast %get3A_171 : vector<1x16xf32> to vector<16xf32>
      %get3A_173 = arith.index_cast %scan3A_83 : i32 to index
      %get3A_174 = arith.constant 64 : index
      %get3A_175 = tpu.vector_load %arg15[%get3A_173, %get3A_174] {strides = array<i32>} : memref<80x128xf32, #tpu.memory_space<vmem>>, vector<1x16xf32>,
      %get3A_176 = vector.shape_cast %get3A_175 : vector<1x16xf32> to vector<16xf32>
      %add3A_177 = arith.addf %get3A_172, %get3A_176 : vector<16xf32>
      %get3A_178 = arith.index_cast %scan3A_83 : i32 to index
      %get3A_179 = arith.constant 64 : index
      %get3A_180 = tpu.vector_load %arg11[%get3A_178, %get3A_179] {strides = array<i32>} : memref<80x128xf32, #tpu.memory_space<vmem>>, vector<1x16xf32>,
      %get3A_181 = vector.shape_cast %get3A_180 : vector<1x16xf32> to vector<16xf32>
      %add3A_182 = arith.addf %add3A_177, %get3A_181 : vector<16xf32>
      %max3A_183 = arith.constant 0.000000e+00 : f32
      %max3A_184 = vector.broadcast %max3A_183 : f32 to vector<16xf32>
      %max3A_185 = arith.maximumf %add3A_182, %max3A_184 : vector<16xf32>
      %swap3A_186 = arith.index_cast %scan3A_83 : i32 to index
      %swap3A_187 = arith.constant 64 : index
      %swap3A_188 = tpu.vector_load %arg17[%swap3A_186, %swap3A_187] {strides = array<i32>} : memref<80x128xf32, #tpu.memory_space<vmem>>, vector<1x16xf32>,
      %swap3A_189 = vector.shape_cast %swap3A_188 : vector<1x16xf32> to vector<16xf32>
      %swap3A_190 = vector.shape_cast %max3A_185 : vector<16xf32> to vector<1x16xf32>
      tpu.vector_store %arg17[%swap3A_186, %swap3A_187], %swap3A_190 {strides = array<i32>} : memref<80x128xf32, #tpu.memory_space<vmem>>, vector<1x16xf32>,
      %get3A_191 = arith.index_cast %scan3A_83 : i32 to index
      %get3A_192 = arith.constant 80 : index
      %get3A_193 = tpu.vector_load %arg13[%get3A_191, %get3A_192] {strides = array<i32>} : memref<80x128xf32, #tpu.memory_space<vmem>>, vector<1x16xf32>,
      %get3A_194 = vector.shape_cast %get3A_193 : vector<1x16xf32> to vector<16xf32>
      %get3A_195 = arith.index_cast %scan3A_83 : i32 to index
      %get3A_196 = arith.constant 80 : index
      %get3A_197 = tpu.vector_load %arg15[%get3A_195, %get3A_196] {strides = array<i32>} : memref<80x128xf32, #tpu.memory_space<vmem>>, vector<1x16xf32>,
      %get3A_198 = vector.shape_cast %get3A_197 : vector<1x16xf32> to vector<16xf32>
      %add3A_199 = arith.addf %get3A_194, %get3A_198 : vector<16xf32>
      %get3A_200 = arith.index_cast %scan3A_83 : i32 to index
      %get3A_201 = arith.constant 80 : index
      %get3A_202 = tpu.vector_load %arg11[%get3A_200, %get3A_201] {strides = array<i32>} : memref<80x128xf32, #tpu.memory_space<vmem>>, vector<1x16xf32>,
      %get3A_203 = vector.shape_cast %get3A_202 : vector<1x16xf32> to vector<16xf32>
      %add3A_204 = arith.addf %add3A_199, %get3A_203 : vector<16xf32>
      %max3A_205 = arith.constant 0.000000e+00 : f32
      %max3A_206 = vector.broadcast %max3A_205 : f32 to vector<16xf32>
      %max3A_207 = arith.maximumf %add3A_204, %max3A_206 : vector<16xf32>
      %swap3A_208 = arith.index_cast %scan3A_83 : i32 to index
      %swap3A_209 = arith.constant 80 : index
      %swap3A_210 = tpu.vector_load %arg17[%swap3A_208, %swap3A_209] {strides = array<i32>} : memref<80x128xf32, #tpu.memory_space<vmem>>, vector<1x16xf32>,
      %swap3A_211 = vector.shape_cast %swap3A_210 : vector<1x16xf32> to vector<16xf32>
      %swap3A_212 = vector.shape_cast %max3A_207 : vector<16xf32> to vector<1x16xf32>
      tpu.vector_store %arg17[%swap3A_208, %swap3A_209], %swap3A_212 {strides = array<i32>} : memref<80x128xf32, #tpu.memory_space<vmem>>, vector<1x16xf32>,
      %get3A_213 = arith.index_cast %scan3A_83 : i32 to index
      %get3A_214 = arith.constant 96 : index
      %get3A_215 = tpu.vector_load %arg13[%get3A_213, %get3A_214] {strides = array<i32>} : memref<80x128xf32, #tpu.memory_space<vmem>>, vector<1x16xf32>,
      %get3A_216 = vector.shape_cast %get3A_215 : vector<1x16xf32> to vector<16xf32>
      %get3A_217 = arith.index_cast %scan3A_83 : i32 to index
      %get3A_218 = arith.constant 96 : index
      %get3A_219 = tpu.vector_load %arg15[%get3A_217, %get3A_218] {strides = array<i32>} : memref<80x128xf32, #tpu.memory_space<vmem>>, vector<1x16xf32>,
      %get3A_220 = vector.shape_cast %get3A_219 : vector<1x16xf32> to vector<16xf32>
      %add3A_221 = arith.addf %get3A_216, %get3A_220 : vector<16xf32>
      %get3A_222 = arith.index_cast %scan3A_83 : i32 to index
      %get3A_223 = arith.constant 96 : index
      %get3A_224 = tpu.vector_load %arg11[%get3A_222, %get3A_223] {strides = array<i32>} : memref<80x128xf32, #tpu.memory_space<vmem>>, vector<1x16xf32>,
      %get3A_225 = vector.shape_cast %get3A_224 : vector<1x16xf32> to vector<16xf32>
      %add3A_226 = arith.addf %add3A_221, %get3A_225 : vector<16xf32>
      %max3A_227 = arith.constant 0.000000e+00 : f32
      %max3A_228 = vector.broadcast %max3A_227 : f32 to vector<16xf32>
      %max3A_229 = arith.maximumf %add3A_226, %max3A_228 : vector<16xf32>
      %swap3A_230 = arith.index_cast %scan3A_83 : i32 to index
      %swap3A_231 = arith.constant 96 : index
      %swap3A_232 = tpu.vector_load %arg17[%swap3A_230, %swap3A_231] {strides = array<i32>} : memref<80x128xf32, #tpu.memory_space<vmem>>, vector<1x16xf32>,
      %swap3A_233 = vector.shape_cast %swap3A_232 : vector<1x16xf32> to vector<16xf32>
      %swap3A_234 = vector.shape_cast %max3A_229 : vector<16xf32> to vector<1x16xf32>
      tpu.vector_store %arg17[%swap3A_230, %swap3A_231], %swap3A_234 {strides = array<i32>} : memref<80x128xf32, #tpu.memory_space<vmem>>, vector<1x16xf32>,
      %get3A_235 = arith.index_cast %scan3A_83 : i32 to index
      %get3A_236 = arith.constant 112 : index
      %get3A_237 = tpu.vector_load %arg13[%get3A_235, %get3A_236] {strides = array<i32>} : memref<80x128xf32, #tpu.memory_space<vmem>>, vector<1x16xf32>,
      %get3A_238 = vector.shape_cast %get3A_237 : vector<1x16xf32> to vector<16xf32>
      %get3A_239 = arith.index_cast %scan3A_83 : i32 to index
      %get3A_240 = arith.constant 112 : index
      %get3A_241 = tpu.vector_load %arg15[%get3A_239, %get3A_240] {strides = array<i32>} : memref<80x128xf32, #tpu.memory_space<vmem>>, vector<1x16xf32>,
      %get3A_242 = vector.shape_cast %get3A_241 : vector<1x16xf32> to vector<16xf32>
      %add3A_243 = arith.addf %get3A_238, %get3A_242 : vector<16xf32>
      %get3A_244 = arith.index_cast %scan3A_83 : i32 to index
      %get3A_245 = arith.constant 112 : index
      %get3A_246 = tpu.vector_load %arg11[%get3A_244, %get3A_245] {strides = array<i32>} : memref<80x128xf32, #tpu.memory_space<vmem>>, vector<1x16xf32>,
      %get3A_247 = vector.shape_cast %get3A_246 : vector<1x16xf32> to vector<16xf32>
      %add3A_248 = arith.addf %add3A_243, %get3A_247 : vector<16xf32>
      %max3A_249 = arith.constant 0.000000e+00 : f32
      %max3A_250 = vector.broadcast %max3A_249 : f32 to vector<16xf32>
      %max3A_251 = arith.maximumf %add3A_248, %max3A_250 : vector<16xf32>
      %swap3A_252 = arith.index_cast %scan3A_83 : i32 to index
      %swap3A_253 = arith.constant 112 : index
      %swap3A_254 = tpu.vector_load %arg17[%swap3A_252, %swap3A_253] {strides = array<i32>} : memref<80x128xf32, #tpu.memory_space<vmem>>, vector<1x16xf32>,
      %swap3A_255 = vector.shape_cast %swap3A_254 : vector<1x16xf32> to vector<16xf32>
      %swap3A_256 = vector.shape_cast %max3A_251 : vector<16xf32> to vector<1x16xf32>
      tpu.vector_store %arg17[%swap3A_252, %swap3A_253], %swap3A_256 {strides = array<i32>} : memref<80x128xf32, #tpu.memory_space<vmem>>, vector<1x16xf32>,
    }
    %scan3A_62 = arith.constant 80 : i32
    %mul3A_63 = arith.constant 80 : i32
    %mul3A_64 = arith.muli %sub3A_37, %mul3A_63 : i32
    %dma_start3A_65 = arith.constant 0 : i32
    %dma_start3A_66 = tpu.memref_slice %arg6[%mul3A_64, %dma_start3A_65] : memref<320000x128xf32, #tpu.memory_space<hbm>> -> memref<80x128xf32, #tpu.memory_space<hbm>>
    %dma_start3A_67 = arith.constant 0 : i32
    %dma_start3A_68 = tpu.memref_slice %arg6[%mul3A_64, %dma_start3A_67] : memref<320000x128xf32, #tpu.memory_space<hbm>> -> memref<80x128xf32, #tpu.memory_space<hbm>>
    tpu.enqueue_dma source(%arg17 : memref<80x128xf32, #tpu.memory_space<vmem>>) target(%dma_start3A_68 : memref<80x128xf32, #tpu.memory_space<hbm>>) target_semaphore(%arg21 : memref<!tpu.dma_semaphore, #tpu.memory_space<semaphore_mem>>)
    %mul3A_69 = arith.constant 80 : i32
    %mul3A_70 = arith.muli %sub3A_37, %mul3A_69 : i32
    %dma_wait3A_71 = arith.constant 0 : i32
    %dma_wait3A_72 = tpu.memref_slice %arg6[%mul3A_70, %dma_wait3A_71] : memref<320000x128xf32, #tpu.memory_space<hbm>> -> memref<80x128xf32, #tpu.memory_space<hbm>>
    %dma_wait3A_73 = arith.constant 0 : i32
    %dma_wait3A_74 = tpu.memref_slice %arg6[%mul3A_70, %dma_wait3A_73] : memref<320000x128xf32, #tpu.memory_space<hbm>> -> memref<80x128xf32, #tpu.memory_space<hbm>>
    tpu.wait_dma2 semaphore(%arg21 : memref<!tpu.dma_semaphore, #tpu.memory_space<semaphore_mem>>) src(%arg17 : memref<80x128xf32, #tpu.memory_space<vmem>>) dst(%dma_wait3A_74 : memref<80x128xf32, #tpu.memory_space<hbm>>)
    %sub3A_75 = arith.constant 1 : i32
    %sub3A_76 = arith.subi %sub3A_37, %sub3A_75 : i32
    %mul3A_77 = arith.constant 80 : i32
    %mul3A_78 = arith.muli %sub3A_76, %mul3A_77 : i32
    %dma_wait3A_79 = arith.constant 0 : i32
    %dma_wait3A_80 = tpu.memref_slice %arg6[%mul3A_78, %dma_wait3A_79] : memref<320000x128xf32, #tpu.memory_space<hbm>> -> memref<80x128xf32, #tpu.memory_space<hbm>>
    %dma_wait3A_81 = arith.constant 0 : i32
    %dma_wait3A_82 = tpu.memref_slice %arg6[%mul3A_78, %dma_wait3A_81] : memref<320000x128xf32, #tpu.memory_space<hbm>> -> memref<80x128xf32, #tpu.memory_space<hbm>>
    tpu.wait_dma2 semaphore(%arg22 : memref<!tpu.dma_semaphore, #tpu.memory_space<semaphore_mem>>) src(%arg18 : memref<80x128xf32, #tpu.memory_space<vmem>>) dst(%dma_wait3A_82 : memref<80x128xf32, #tpu.memory_space<hbm>>)
    return
  }
}

module attributes {stable_mosaic.version = 14 : i64} {
  func.func @_tc_matmul_body(%arg0: i32, %arg1: memref<16000x16xf32, #tpu.memory_space<vmem>>, %arg2: memref<16x128xbf16, #tpu.memory_space<vmem>>, %arg3: memref<1x128xf32, #tpu.memory_space<vmem>>, %arg4: memref<16000x128xf32, #tpu.memory_space<vmem>>) attributes {dimension_semantics = [#tpu.dimension_semantics<arbitrary>], iteration_bounds = array<i64: 20>, scalar_prefetch = 0 : i64, scratch_operands = 0 : i64, tpu.core_type = #tpu.core_type<tc>, window_params = [{transform_indices = @transform_0, window_bounds = array<i64: 16000, 16>}, {pipeline_mode = #tpu.pipeline_mode<synchronous>, transform_indices = @transform_1, window_bounds = array<i64: 16, 128>}, {pipeline_mode = #tpu.pipeline_mode<synchronous>, transform_indices = @transform_2, window_bounds = array<i64: 1, 128>}, {transform_indices = @transform_3, window_bounds = array<i64: 16000, 128>}]} {
    %get3A = arith.constant 0 : index
    %get3A_0 = arith.constant 0 : index
    %get3A_1 = vector.load %arg1[%get3A, %get3A_0] : memref<16000x16xf32, #tpu.memory_space<vmem>>, vector<16000x16xf32>
    %convert_element_type3A = arith.truncf %get3A_1 : vector<16000x16xf32> to vector<16000x16xbf16>
    %get3A_2 = arith.constant 0 : index
    %get3A_3 = arith.constant 0 : index
    %get3A_4 = vector.load %arg2[%get3A_2, %get3A_3] : memref<16x128xbf16, #tpu.memory_space<vmem>>, vector<16x128xbf16>
    %dot_general3A = arith.constant dense<0.000000e+00> : vector<16000x128xf32>
    %dot_general3A_5 = tpu.matmul %convert_element_type3A, %get3A_4, %dot_general3A {dimension_numbers = #tpu.dot_dimension_numbers<[1], [0], [0], [1], [0, 0, 1, 1], [], []>, transpose_lhs_hint = false} : vector<16000x16xbf16>, vector<16x128xbf16>, vector<16000x128xf32> -> vector<16000x128xf32>
    %get3A_6 = arith.constant 0 : index
    %get3A_7 = arith.constant 0 : index
    %get3A_8 = vector.load %arg3[%get3A_6, %get3A_7] : memref<1x128xf32, #tpu.memory_space<vmem>>, vector<1x128xf32>
    %add3A = vector.broadcast %get3A_8 : vector<1x128xf32> to vector<16000x128xf32>
    %add3A_9 = arith.addf %dot_general3A_5, %add3A : vector<16000x128xf32>
    %swap3A = arith.constant 0 : index
    %swap3A_10 = arith.constant 0 : index
    %swap3A_11 = vector.load %arg4[%swap3A, %swap3A_10] : memref<16000x128xf32, #tpu.memory_space<vmem>>, vector<16000x128xf32>
    tpu.vector_store %arg4[%swap3A, %swap3A_10], %add3A_9 {strides = array<i32>} : memref<16000x128xf32, #tpu.memory_space<vmem>>, vector<16000x128xf32>,
    return
  }
  func.func @transform_0(%arg0: i32) -> (i32, i32) {
    %c0_i32 = arith.constant 0 : i32
    %c0_i32_0 = arith.constant 0 : i32
    return %arg0, %c0_i32 : i32, i32
  }
  func.func @transform_1(%arg0: i32) -> (i32, i32) {
    %c0_i32 = arith.constant 0 : i32
    %c0_i32_0 = arith.constant 0 : i32
    %c0_i32_1 = arith.constant 0 : i32
    return %c0_i32, %c0_i32_0 : i32, i32
  }
  func.func @transform_2(%arg0: i32) -> (i32, i32) {
    %c0_i32 = arith.constant 0 : i32
    %c0_i32_0 = arith.constant 0 : i32
    %c0_i32_1 = arith.constant 0 : i32
    return %c0_i32, %c0_i32_0 : i32, i32
  }
  func.func @transform_3(%arg0: i32) -> (i32, i32) {
    %c0_i32 = arith.constant 0 : i32
    %c0_i32_0 = arith.constant 0 : i32
    return %arg0, %c0_i32 : i32, i32
  }
}

</mosaic_0001>

<sc_bundles>
// kernel: kernel.4.cloned.1.call-start
scs
__scs_entry_jumppad:
0x0: {  	(pc) =	sbr.rel $0x88, $3  }
0x1: {  	(tag) =	ssettag $0x0;
	lr =	simm.s32 $0x1  }
0x2: {  	[smem:$0x3F9C] =	sst lr;
	_ =	strace $0xD0000000  }
0x3: {  	_ = 	snop  }
0x4: {  	_ = 	snop  }
0x5: {  	_ = 	snop  }
0x6: {  	_ = 	snop  }
0x7: {  	_ = 	snop  }
__scs_overlays_trampoline_lowered:
0x8: {  	[smem:$0x3FAB] =	sst s0  }
0x9: {  	[smem:$0x3FAC] =	sst s1  }
0xa: {  	[smem:$0x3FAD] =	sst s2  }
0xb: {  	[smem:$0x3FAE] =	sst s3  }
0xc: {  	[smem:$0x3FAF] =	sst s4  }
0xd: {  	[smem:$0x3FB0] =	sst s5  }
0xe: {  	[smem:$0x3FB1] =	sst s6  }
0xf: {  	[smem:$0x3FB2] =	sst s7  }
0x10: {  	[smem:$0x3FB3] =	sst s8  }
0x11: {  	[smem:$0x3FB4] =	sst s9;
	s0 =	simm.s32 @!p0 $0x0  }
0x12: {  	s1 =	sld [smem:$0x3F9A];
	s0 =	simm.s32 @p0 $0x1  }
0x13: {  	[smem:$0x3FB5] =	sst s0;
	s0 =	simm.s32 @!p1 $0x0  }
0x14: {  	s2 =	sld [smem:$0x3F99];
	s0 =	simm.s32 @p1 $0x1  }
0x15: {  	[smem:$0x3FB6] =	sst s0;
	s0 =	simm.s32 @!p2 $0x0  }
0x16: {  	s3 =	sld [smem:$0x3FDB];
	s0 =	simm.s32 @p2 $0x1  }
0x17: {  	s4 =	simm.s32 $0x1BF5;
	[smem:$0x3FB8] =	sst s0  }
0x18: {  	s0 =	sld [smem:$0x3F9B];
	_ =	swait.ge [sflag:s4], $0x0  }
0x19: {  	s7 =	sld [smem:$0x3F9C]  }
0x1a: {  	s8 =	sadd.s32 $0xFFFFE003, lr  }
0x1b: {  	s9 =	sadd.s32 $0xFFFFFEF7, lr;
	s5 =	simm.s32 $0xFFFFFFFF;
	p2 =	slt.u32 s8, $0xFFFFF086  }
0x1c: {  	p1 =	slt.u32 s9, $0xF7A;
	s5 =	simm.s32 @!p2 $0x0  }
0x1d: {  	s5 =	simm.s32 @p1 $0x1;
	p0 =	seq.s32 s7, s2  }
0x1e: {  	s7 =	smul.u32 @!p0 $0xF7A, s2;
	p2 =	seq.s32 @!p0 s5, $0x0  }
0x1f: {  	s9 =	smul.u32 $0xF7A, s1;
	s8 =	simm.s32 @!p0 $0x1BF5;
	p2 =	por !p2, p0  }
0x20: {  	[sflag:s8] =	ssyncset.s32 @!p0 $0xFFFFF086;
	s6 =	sadd.s32 @!p0 s3, s7;
	s7 =	simm.s32 @!p0 $0x108  }
0x21: {  	s3 =	sadd.s32 s3, s9;
	s6 =	sadd.s32 @!p0 $0x88, s6;
	s7 =	simm.s32 @p2 $0x1082  }
0x22: {  	[simem:s7], [sflag:s8] =	dma.local @!p0 [hbm:s6], $0xF7A  }
0x23: {  	s9 =	sor.u32 $0xD0000000, s2;
	s6 =	simm.s32 $0x108;
	_ =	swait.ge @!p0 [sflag:s8], $0x0  }
0x24: {  	s3 =	sadd.s32 $0x88, s3;
	s6 =	simm.s32 @!p1 $0x1082;
	[sflag:s4] =	ssyncset.s32 $0xFFFFF086  }
0x25: {  	[simem:s6], [sflag:s4] =	dma.local [hbm:s3], $0xF7A  }
0x26: {  	[smem:$0x3F9C] =	sst s1;
	(tag) =	ssettag s2;
	_ =	strace s9  }
0x27: {  	s1 =	sld [smem:$0x3FAC]  }
0x28: {  	s2 =	sld [smem:$0x3FAD]  }
0x29: {  	s4 =	sld [smem:$0x3FAF]  }
0x2a: {  	p0 =	seq.s32 s5, $0x0;
	s5 =	sld [smem:$0x3FB0]  }
0x2b: {  	s6 =	sld [smem:$0x3FB1]  }
0x2c: {  	s7 =	sld [smem:$0x3FB2]  }
0x2d: {  	s3 =	simm.s32 $0x108;
	s8 =	sld [smem:$0x3FB3]  }
0x2e: {  	s3 =	simm.s32 @!p0 $0x1082;
	s9 =	sld [smem:$0x3FB4]  }
0x2f: {  	lr =	sadd.s32 s0, s3;
	s0 =	sld [smem:$0x3FAB]  }
0x30: {  	s3 =	sld [smem:$0x3FAE]  }
0x31: {  	[smem:$0x3FB7] =	sst s10  }
0x32: {  	s10 =	sld [smem:$0x3FB5];
	_ =	sdelay $0x3  }
0x33: {  	p0 =	seq.s32 s10, $0x1;
	s10 =	sld [smem:$0x3FB7];
	_ =	sdelay $0x3  }
0x34: {  	[smem:$0x3FB7] =	sst s10  }
0x35: {  	s10 =	sld [smem:$0x3FB6];
	_ =	sdelay $0x3  }
0x36: {  	p1 =	seq.s32 s10, $0x1;
	s10 =	sld [smem:$0x3FB7];
	_ =	sdelay $0x3  }
0x37: {  	[smem:$0x3FB7] =	sst s10  }
0x38: {  	s10 =	sld [smem:$0x3FB8]  }
0x39: {  	_ = 	snop;
	(pc) =	sbr.ind lr, $3  }
0x3a: {  	_ = 	snop  }
0x3b: {  	_ = 	snop  }
0x3c: {  	p2 =	seq.s32 s10, $0x1;
	s10 =	sld [smem:$0x3FB7]  }
0x3d: {  	_ =	shalt  }
0x3e: {  	_ =	shalt  }
0x3f: {  	_ =	shalt  }
0x40: {  	_ =	shalt  }
0x41: {  	_ =	shalt  }
0x42: {  	_ =	shalt  }
0x43: {  	_ =	shalt  }
0x44: {  	_ =	shalt  }
0x45: {  	_ =	shalt  }
0x46: {  	_ =	shalt  }
0x47: {  	_ =	shalt  }
0x48: {  	_ =	shalt  }
0x49: {  	_ =	shalt  }
0x4a: {  	_ =	shalt  }
0x4b: {  	_ =	shalt  }
0x4c: {  	_ =	shalt  }
0x4d: {  	_ =	shalt  }
0x4e: {  	_ =	shalt  }
0x4f: {  	_ =	shalt  }
0x50: {  	_ =	shalt  }
0x51: {  	_ =	shalt  }
0x52: {  	_ =	shalt  }
0x53: {  	_ =	shalt  }
0x54: {  	_ =	shalt  }
0x55: {  	_ =	shalt  }
0x56: {  	_ =	shalt  }
0x57: {  	_ =	shalt  }
0x58: {  	_ =	shalt  }
0x59: {  	_ =	shalt  }
0x5a: {  	_ =	shalt  }
0x5b: {  	_ =	shalt  }
0x5c: {  	_ =	shalt  }
0x5d: {  	_ =	shalt  }
0x5e: {  	_ =	shalt  }
0x5f: {  	_ =	shalt  }
0x60: {  	_ =	shalt  }
0x61: {  	_ =	shalt  }
0x62: {  	_ =	shalt  }
0x63: {  	_ =	shalt  }
0x64: {  	_ =	shalt  }
0x65: {  	_ =	shalt  }
0x66: {  	_ =	shalt  }
0x67: {  	_ =	shalt  }
0x68: {  	_ =	shalt  }
0x69: {  	_ =	shalt  }
0x6a: {  	_ =	shalt  }
0x6b: {  	_ =	shalt  }
0x6c: {  	_ =	shalt  }
0x6d: {  	_ =	shalt  }
0x6e: {  	_ =	shalt  }
0x6f: {  	_ =	shalt  }
0x70: {  	_ =	shalt  }
0x71: {  	_ =	shalt  }
0x72: {  	_ =	shalt  }
0x73: {  	_ =	shalt  }
0x74: {  	_ =	shalt  }
0x75: {  	_ =	shalt  }
0x76: {  	_ =	shalt  }
0x77: {  	_ =	shalt  }
0x78: {  	_ =	shalt  }
0x79: {  	_ =	shalt  }
0x7a: {  	_ =	shalt  }
0x7b: {  	_ =	shalt  }
0x7c: {  	_ =	shalt  }
0x7d: {  	_ =	shalt  }
0x7e: {  	_ =	shalt  }
0x7f: {  	_ =	shalt  }
0x80: {  	_ =	shalt  }
0x81: {  	_ =	shalt  }
0x82: {  	_ =	shalt  }
0x83: {  	_ =	shalt  }
0x84: {  	_ =	shalt  }
0x85: {  	_ =	shalt  }
0x86: {  	_ =	shalt  }
0x87: {  	_ =	shalt  }
.Lfunc_end0:
.L_simem_size_0:
called_computation_lowered:
.L_overlay_start_0:
0x88: {  	s2 =	sld [smem:$0x3FD9]  }
0x89: {  	s3 =	sld [smem:$0x3FFE];
	_ =	sdelay $0x1  }
0x8a: {  	s1 =	srdreg.scid  }
0x8b: {  	s0 =	sand.u32 $0x1, s1  }
0x8c: {  	s17 =	sshll.u32 s0, $0xA;
	s2 =	sadd.s32 s3, s2  }
0x8d: {  	s2 =	sadd.s32 s2, s17  }
0x8e: {  	[smem:$0x3FC3] =	sst s2  }
0x8f: {  	_ = 	snop  }
0x90: {  	s2 =	sld [smem:$0x3FC9]  }
0x91: {  	s18 =	sld [smem:$0x3FD0];
	(tm) =	ssettm $0x1  }
0x92: {  	s4 =	sld [smem:$0x3FFB];
	_ =	sdelay $0x3  }
0x93: {  	_ =	strace s4  }
0x94: {  	s4 =	sld [smem:$0x3FFC];
	_ =	sdelay $0x3  }
0x95: {  	_ =	strace s4  }
0x96: {  	s4 =	sld [smem:$0x3FFD];
	_ =	sdelay $0x3  }
0x97: {  	_ =	strace s4  }
0x98: {  	_ =	strace $0x8FFFFFFF  }
0x99: {  	s19 =	sld [smem:$0x3FDB];
	_ =	sdelay $0x1  }
0x9a: {  	s5 =	simm.s32 $_scs_section_size  }
0x9b: {  	s6 =	simm.s32 $_size__tile_overlayer_lowered;
	s7 =	simm.s32 $_tile_overlayer_lowered  }
0x9c: {  	s22 =	simm.s32 $0x1BFF;
	s21 =	sshll.u32 s7, $0x1;
	s4 =	sadd.s32 s5, s19  }
0x9d: {  	s8 =	simm.s32 $0x0;
	s20 =	sshll.u32 s6, $0x1;
	s6 =	sadd.s32 s21, s4  }
0x9e: {  	[timem:s8], [sflag:s22] =	dma.local [hbm:s6], s20  }
0x9f: {  	_ =	swait.ge [sflag:s22], s20  }
0xa0: {  	s5 =	ssub.s32 $0x0, s20;
	[sflag:s22] =	ssyncset.done $0x0  }
0xa1: {  	[sflag:s22] =	ssyncadd.s32 s5;
	_ =	sdelay $0x1  }
0xa2: {  	s23 =	simm.s32 $0x1B8B  }
0xa3: {  	_ =	swait.ge [sflag:s23], $0x1  }
0xa4: {  	[sflag:s23] =	ssyncset.done $0x0  }
0xa5: {  	s25 =	simm.s32 $0x1B8E;
	s24 =	sld [smem:$0x3FFE];
	[sflag:s23] =	ssyncadd.s32 $0xFFFFFFFF  }
0xa6: {  	s26 =	simm.s32 $execute0_lowered;
	[smem:$0x3FD2] =	sst s25  }
0xa7: {  	s6 =	sshll.u32 s26, $0x1;
	_ =	strace $0x80000046;
	[dreg:$0x1] =	wrdreg $0xFFFFFFFF  }
0xa8: {  	s28 =	simm.s32 $_size_execute0_lowered;
	s4 =	sadd.s32 s4, s6;
	[dreg:$0x0] =	wrdreg $0x0  }
0xa9: {  	s6 =	sshll.u32 s28, $0x1;
	[dreg:$0x2] =	wrdreg s4  }
0xaa: {  	[dreg:$0x3] =	wrdreg s6  }
0xab: {  	[dreg:$0x4] =	wrdreg $0xC0  }
0xac: {  	_ =	task [dreg:s8], $0x5FFFF  }
0xad: {  	[dreg:$0x1] =	wrdreg $0xFFFFFFFF  }
0xae: {  	[dreg:$0x0] =	wrdreg $0x60  }
0xaf: {  	[dreg:$0x2] =	wrdreg s2  }
0xb0: {  	[dreg:$0x3] =	wrdreg s24  }
0xb1: {  	[dreg:$0x4] =	wrdreg s18  }
0xb2: {  	[dreg:$0x5] =	wrdreg $0x9  }
0xb3: {  	_ =	task.clear_ibuf [dreg:s8], $0x6FFFF;
	_ =	strace $0x90000046  }
0xb4: {  	s29 =	simm.s32 $0x9;
	_ =	strace $0x80000048  }
0xb5: {  	_ =	swait.ge [sflag:s29], $0x1  }
0xb6: {  	[sflag:s29] =	ssyncadd.s32 $0xFFFFFFFF  }
0xb7: {  	_ =	strace $0x90000048  }
0xb8: {  	_ =	sfence  }
0xb9: {  	s30 =	sld [smem:$0x0];
	_ =	sdelay $0x2  }
0xba: {  	s31 =	sshll.u32 s1, $0xD;
	s1 =	sshrl.u32 s1, $0x2  }
0xbb: {  	s3 =	sand.u32 $0x4000, s31;
	s1 =	sadd.s32 s1, s30  }
0xbc: {  	s0 =	sor.u32 s3, s0;
	s1 =	sshll.u32 s1, $0x11  }
0xbd: {  	s0 =	sor.u32 s1, s0  }
0xbe: {  	s0 =	sadd.s32 $0x8F2B, s0  }
0xbf: {  	[sflag:s0] =	ssyncadd.remote.s32 $0x1  }
0xc0: {  	_ =	sfence.sel $0xFFFF  }
0xc1: {  	[dreg:$0x0] =	wrdreg $0xFFFFFFFF;
	(pc) =	sbr.abs _section_cstart, $3  }
0xc2: {  	[dreg:$0x1] =	wrdreg $0xFFFFFFFF  }
0xc3: {  	_ =	task.clear_ibuf [dreg:s8], $0x2FFFF;
	_ =	strace $0x9FFFFFFF  }
0xc4: {  	(tm) =	ssettm $0x7FFFFFFF  }
0xc5: {  	_ =	shalt  }
tec
execute0_lowered:
.L_overlay_start_1:
0x0: {  	(tag) =	ssettag $0x1  }
0x1: {  	s0 =	rddreg [dreg:$0x0]  }
0x2: {  	s1 =	srdreg.scid;
	s3 =	rddreg [dreg:$0x1]  }
0x3: {  	s4 =	rddreg [dreg:$0x2];
	s6 =	stileid.u32;
	s5 =	simm.s32 $0x0  }
0x4: {  	s17 =	simm.s32 $0x5;
	s18 =	simm.s32 $0x100;
	s19 =	simm.s32 $0x50  }
0x5: {  	s20 =	simm.s32 $0x5200;
	s21 =	simm.s32 $0xA200;
	s1 =	sand.u32 $0x1, s1  }
0x6: {  	s28 =	simm.s32 $0x2A00;
	s29 =	simm.s32 $0x1;
	s2 =	sshll.u32 s1, $0x4  }
0x7: {  	s30 =	simm.s32 $0xF200;
	s31 =	simm.s32 $0x2;
	s2 =	sor.u32 s6, s2  }
0x8: {  	[smem:$0x7FF] =	sst s5;
	s1 =	ssub.s32 $0x2, s1;
	s6 =	smul.u32 $0x7D, s2  }
0x9: {  	s7 =	sadd.s32 $0x9E00, s3;
	s11 =	sshrl.u32 s1, $0x1;
	s9 =	smul.u32 $0x4E2, s2  }
0xa: {  	s8 =	sadd.s32 $0x13C00, s3;
	s10 =	smul.u32 $0x2710, s2;
	s1 =	ssub.s32 s1, s11  }
0xb: {  	_ =	strace $0x80000047;
	s12 =	smul.u32 $0x27100, s2;
	s1 =	smax.u32 s1, $0x1  }
0xc: {  	s2 =	smul.u32 $0x138800, s2;
	s22 =	sadd.s32 s7, s9;
	[dreg:$0xb] =	wrdreg s1  }
0xd: {  	s10 =	sadd.s32 $0x50, s10;
	s9 =	sadd.s32 s3, s9;
	[dreg:$0x4] =	wrdreg s22  }
0xe: {  	s24 =	sadd.s32 s8, s12;
	s2 =	sshrl.u32 s2, $0x3;
	[dreg:$0x5] =	wrdreg s9  }
0xf: {  	s1 =	simm.s32 $0x11A00;
	s23 =	sshrl.u32 s10, $0x3;
	[dreg:$0x6] =	wrdreg s24  }
0x10: {  	s26 =	sshll.u32 s10, $0x4;
	s2 =	sadd.s32 s4, s2;
	s22 =	simm.s32 $0x200  }
0x11: {  	s24 =	simm.s32 $0x180;
	s10 =	simm.s32 $0x0;
	s25 =	sadd.s32 s7, s23  }
0x12: {  	s9 =	sadd.s32 s3, s23;
	s2 =	sadd.s32 $0x26C00, s2;
	[dreg:$0x7] =	wrdreg s25  }
0x13: {  	s23 =	simm.s32 $0x80;
	[dreg:$0x8] =	wrdreg s9;
	s9 =	sadd.s32 s8, s26  }
0x14: {  	[dreg:$0xa] =	wrdreg s2;
	s25 =	simm.s32 $0x7A00;
	s26 =	simm.s32 $0xCA00  }
0x15: {  	s2 =	simm.s32 $0x3;
	[dreg:$0x9] =	wrdreg s9;
	s9 =	simm.s32 $0x4  }
.LBB2_1:
0x16: {  	s11 =	rddreg [dreg:$0x4]  }
0x17: {  	[tilespmem:s5], [sflag:$0x5] =	stream.linear.gather [hbm4b:s11+s5], $0x50, $0x38;
	[tilespmem:$0x14200] =	vst v63  }
0x18: {  	_ =	swait.ge [sflag:s17], $0x50  }
0x19: {  	[sflag:s17] =	ssyncset.done $0x0  }
0x1a: {  	s12 =	rddreg [dreg:$0x5];
	[sflag:s17] =	ssyncadd.s32 $0xFFFFFFB0  }
0x1b: {  	[tilespmem:s18], [sflag:$0x5] =	stream.linear.gather [hbm4b:s12+s5], $0x50, $0x38;
	[tilespmem:$0x14200] =	vst v63  }
0x1c: {  	_ =	swait.ge [sflag:s17], $0x50  }
0x1d: {  	[sflag:s17] =	ssyncset.done $0x0  }
0x1e: {  	[sflag:s17] =	ssyncadd.s32 $0xFFFFFFB0  }
0x1f: {  	[tilespmem:s20], [sflag:$0x1] =	stream.indirect.gather [hbm4b:s0+s19], $0x80, s5, s19, $0xb8;
	[tilespmem:$0x14200] =	vst v63  }
0x20: {  	_ = 	snop  }
0x21: {  	[tilespmem:s21], [sflag:$0x1] =	stream.indirect.gather [hbm4b:s0+s19], $0x80, s18, s19, $0xb8;
	[tilespmem:$0x14200] =	vst v63  }
0x22: {  	s13 =	rddreg [dreg:$0x6]  }
0x23: {  	[tilespmem:s22], [sflag:$0x1] =	stream.linear.gather [hbm4b:s13+s5], $0x2800, $0x38;
	[tilespmem:$0x14200] =	vst v63  }
0x24: {  	s14 =	rddreg [dreg:$0x7]  }
0x25: {  	[tilespmem:s23], [sflag:$0x5] =	stream.linear.gather [hbm4b:s14+s5], $0x50, $0x38;
	[tilespmem:$0x14200] =	vst v63  }
0x26: {  	_ =	swait.ge [sflag:s17], $0x50  }
0x27: {  	[sflag:s17] =	ssyncset.done $0x0  }
0x28: {  	s15 =	rddreg [dreg:$0x8];
	[sflag:s17] =	ssyncadd.s32 $0xFFFFFFB0  }
0x29: {  	[tilespmem:s24], [sflag:$0x5] =	stream.linear.gather [hbm4b:s15+s5], $0x50, $0x38;
	[tilespmem:$0x14200] =	vst v63  }
0x2a: {  	_ =	swait.ge [sflag:s17], $0x50  }
0x2b: {  	[sflag:s17] =	ssyncset.done $0x0  }
0x2c: {  	[sflag:s17] =	ssyncadd.s32 $0xFFFFFFB0  }
0x2d: {  	[tilespmem:s25], [sflag:$0x2] =	stream.indirect.gather [hbm4b:s0+s19], $0x80, s23, s19, $0xb8;
	[tilespmem:$0x14200] =	vst v63  }
0x2e: {  	_ = 	snop  }
0x2f: {  	[tilespmem:s26], [sflag:$0x2] =	stream.indirect.gather [hbm4b:s0+s19], $0x80, s24, s19, $0xb8;
	[tilespmem:$0x14200] =	vst v63  }
0x30: {  	s11 =	simm.s32 $0x0;
	s16 =	rddreg [dreg:$0x9]  }
0x31: {  	[tilespmem:s28], [sflag:$0x2] =	stream.linear.gather [hbm4b:s16+s5], $0x2800, $0x38;
	[tilespmem:$0x14200] =	vst v63  }
.LBB2_2:
0x32: {  	_ =	swait.ge [sflag:s29], $0x2800  }
0x33: {  	[sflag:s29] =	ssyncset.done $0x0  }
0x34: {  	[sflag:s29] =	ssyncadd.s32 $0xFFFFD800  }
0x35: {  	_ =	swait.ge [sflag:s29], $0x2800  }
0x36: {  	[sflag:s29] =	ssyncset.done $0x0  }
0x37: {  	[sflag:s29] =	ssyncadd.s32 $0xFFFFD800  }
0x38: {  	_ =	swait.ge [sflag:s29], $0x2800  }
0x39: {  	p0 =	seq.s32 s11, $0x0;
	[sflag:s29] =	ssyncset.done $0x0  }
0x3a: {  	s12 =	simm.s32 @!p0 $0x3;
	[sflag:s29] =	ssyncadd.s32 $0xFFFFD800  }
0x3b: {  	_ =	swait.ge @!p0 [sflag:s12], $0x2800  }
0x3c: {  	[sflag:s12] =	ssyncset.done @!p0 $0x0  }
0x3d: {  	s13 =	simm.s32 $0x0;
	[sflag:s12] =	ssyncadd.s32 @!p0 $0xFFFFD800  }
0x3e: {  	v0 =	vld [tilespmem:s13+$0x5270]  }
0x3f: {  	v1 =	vld [tilespmem:s13+$0xA270]  }
0x40: {  	v2 =	vld [tilespmem:s13+$0x5200]  }
0x41: {  	v3 =	vld [tilespmem:s13+$0x270]  }
0x42: {  	v4 =	vld [tilespmem:s13+$0xA200]  }
0x43: {  	v5 =	vld [tilespmem:s13+$0x5210]  }
0x44: {  	v6 =	vld [tilespmem:s13+$0xA210]  }
0x45: {  	v7 =	vld [tilespmem:s13+$0xA220]  }
0x46: {  	v9 =	vld [tilespmem:s13+$0xA230]  }
0x47: {  	v10 =	vld [tilespmem:s13+$0x5240]  }
0x48: {  	v11 =	vld [tilespmem:s13+$0x5250]  }
0x49: {  	v12 =	vld [tilespmem:s13+$0xA250]  }
0x4a: {  	v13 =	vld [tilespmem:s13+$0x5260];
	v0 =	vadd.f32 v1, v0  }
0x4b: {  	v14 =	vld [tilespmem:s13+$0xA260]  }
0x4c: {  	v15 =	vld [tilespmem:s13+$0x200];
	v0 =	vadd.f32 v3, v0  }
0x4d: {  	v1 =	vld [tilespmem:s13+$0x5220]  }
0x4e: {  	v3 =	vld [tilespmem:s13+$0x5230];
	v0 =	vmax.f32 v0, $0.0e+00  }
0x4f: {  	[tilespmem:s13+$0xF270] =	vst v0;
	v0 =	vld [tilespmem:s13+$0xA240]  }
0x50: {  	v16 =	vld [tilespmem:s13+$0x210]  }
0x51: {  	v17 =	vld [tilespmem:s13+$0x220]  }
0x52: {  	v8 =	vld [tilespmem:s13+$0x230];
	v2 =	vadd.f32 v4, v2;
	v18 =	vadd.f32 v6, v5  }
0x53: {  	v19 =	vadd.f32 v7, v1;
	v7 =	vld [tilespmem:s13+$0x240];
	v4 =	vadd.f32 v9, v3  }
0x54: {  	v5 =	vld [tilespmem:s13+$0x250];
	v3 =	vadd.f32 v0, v10;
	v10 =	vadd.f32 v15, v2  }
0x55: {  	s16 =	sshll.u32 s11, $0x1;
	s14 =	simm.s32 $0x80;
	v6 =	vld [tilespmem:s13+$0x260];
	v9 =	vadd.f32 v16, v18;
	v2 =	vadd.f32 v12, v11  }
0x56: {  	s15 =	simm.s32 $0x400;
	s12 =	sadd.s32 s6, s16;
	v1 =	vld [tilespmem:s14+$0x5270];
	v0 =	vadd.f32 v14, v13;
	v11 =	vmax.f32 v10, $0.0e+00;
	v10 =	vadd.f32 v17, v19  }
.LBB2_3:
0x57: {  	p1 =	sne.s32 s15, $0x9E00;
	v12 =	vld [tilespmem:s14+$0xA270];
	[tilespmem:s13+$0xF200] =	vst v11;
	v9 =	vmax.f32 v9, $0.0e+00;
	v4 =	vadd.f32 v8, v4  }
0x58: {  	v8 =	vld [tilespmem:s14+$0x5200];
	[tilespmem:s13+$0xF210] =	vst v9;
	v9 =	vmax.f32 v10, $0.0e+00;
	v3 =	vadd.f32 v7, v3  }
0x59: {  	v7 =	vld [tilespmem:s14+$0x270];
	[tilespmem:s13+$0xF220] =	vst v9;
	v4 =	vmax.f32 v4, $0.0e+00;
	v2 =	vadd.f32 v5, v2  }
0x5a: {  	v5 =	vld [tilespmem:s14+$0xA200];
	[tilespmem:s13+$0xF230] =	vst v4;
	v3 =	vmax.f32 v3, $0.0e+00;
	v0 =	vadd.f32 v6, v0  }
0x5b: {  	v4 =	vld [tilespmem:s14+$0x5210];
	[tilespmem:s13+$0xF240] =	vst v3;
	v2 =	vmax.f32 v2, $0.0e+00  }
0x5c: {  	v3 =	vld [tilespmem:s14+$0xA210];
	v1 =	vadd.f32 v12, v1;
	[tilespmem:s13+$0xF250] =	vst v2;
	v0 =	vmax.f32 v0, $0.0e+00  }
0x5d: {  	v2 =	vld [tilespmem:s14+$0x5220];
	[tilespmem:s13+$0xF260] =	vst v0;
	s13 =	smov.u32 s14  }
0x5e: {  	v0 =	vld [tilespmem:s13+$0xA220];
	v1 =	vadd.f32 v7, v1  }
0x5f: {  	v5 =	vadd.f32 v5, v8;
	v6 =	vld [tilespmem:s13+$0x5230]  }
0x60: {  	v7 =	vld [tilespmem:s13+$0xA230];
	v1 =	vmax.f32 v1, $0.0e+00  }
0x61: {  	v9 =	vadd.f32 v3, v4;
	v3 =	vld [tilespmem:s13+$0x5240];
	[tilespmem:s13+$0xF270] =	vst v1  }
0x62: {  	v1 =	vld [tilespmem:s13+$0xA240]  }
0x63: {  	v10 =	vadd.f32 v0, v2;
	v0 =	vld [tilespmem:s13+$0x5250]  }
0x64: {  	v2 =	vld [tilespmem:s13+$0xA250]  }
0x65: {  	v4 =	vadd.f32 v7, v6;
	v6 =	vld [tilespmem:s13+$0x5260]  }
0x66: {  	v11 =	vld [tilespmem:s13+$0xA260]  }
0x67: {  	v12 =	vld [tilespmem:s13+$0x200];
	v3 =	vadd.f32 v1, v3  }
0x68: {  	v1 =	vld [tilespmem:s13+$0x210]  }
0x69: {  	v13 =	vld [tilespmem:s13+$0x220];
	v2 =	vadd.f32 v2, v0  }
.Ltmp0:
0x6a: {  	v8 =	vld [tilespmem:s13+$0x230];
	(pc) =	sbr.rel @p1 .LBB2_3-.Ltmp0, $4  }
0x6b: {  	v7 =	vld [tilespmem:s13+$0x240];
	v0 =	vadd.f32 v11, v6  }
0x6c: {  	v11 =	vadd.f32 v12, v5;
	v5 =	vld [tilespmem:s13+$0x250]  }
0x6d: {  	s14 =	sshra.s32 s15, $0x2;
	v9 =	vadd.f32 v1, v9;
	v6 =	vld [tilespmem:s13+$0x260]  }
0x6e: {  	s15 =	sadd.s32 $0x200, s15;
	v1 =	vld [tilespmem:s14+$0x5270];
	v11 =	vmax.f32 v11, $0.0e+00;
	v10 =	vadd.f32 v13, v10  }
0x6f: {  	v12 =	vld [tilespmem:s14+$0xA270];
	[tilespmem:s13+$0xF200] =	vst v11;
	v9 =	vmax.f32 v9, $0.0e+00;
	v4 =	vadd.f32 v8, v4  }
0x70: {  	v11 =	vld [tilespmem:s14+$0x5200];
	[tilespmem:s13+$0xF210] =	vst v9;
	v8 =	vmax.f32 v10, $0.0e+00;
	v3 =	vadd.f32 v7, v3  }
0x71: {  	v9 =	vld [tilespmem:s14+$0x270];
	[tilespmem:s13+$0xF220] =	vst v8;
	v4 =	vmax.f32 v4, $0.0e+00;
	v2 =	vadd.f32 v5, v2  }
0x72: {  	v7 =	vld [tilespmem:s14+$0xA200];
	[tilespmem:s13+$0xF230] =	vst v4;
	v3 =	vmax.f32 v3, $0.0e+00;
	v0 =	vadd.f32 v6, v0  }
0x73: {  	v4 =	vld [tilespmem:s14+$0x5210];
	[tilespmem:s13+$0xF240] =	vst v3;
	v2 =	vmax.f32 v2, $0.0e+00  }
0x74: {  	v3 =	vld [tilespmem:s14+$0xA210];
	[tilespmem:s13+$0xF250] =	vst v2;
	v0 =	vmax.f32 v0, $0.0e+00  }
0x75: {  	v2 =	vld [tilespmem:s14+$0x5220];
	[tilespmem:s13+$0xF260] =	vst v0  }
0x76: {  	v0 =	vld [tilespmem:s14+$0xA220]  }
0x77: {  	v5 =	vld [tilespmem:s14+$0x5230]  }
0x78: {  	v1 =	vadd.f32 v12, v1;
	v6 =	vld [tilespmem:s14+$0xA230]  }
0x79: {  	v8 =	vld [tilespmem:s14+$0x5240]  }
0x7a: {  	v1 =	vadd.f32 v9, v1;
	v9 =	vld [tilespmem:s14+$0x5250]  }
0x7b: {  	v10 =	vld [tilespmem:s14+$0xA250]  }
0x7c: {  	v58 =	vld [tilespmem:s14+$0x5260]  }
0x7d: {  	v13 =	vld [tilespmem:s14+$0xA260]  }
0x7e: {  	v14 =	vld [tilespmem:s14+$0x200]  }
0x7f: {  	v15 =	vld [tilespmem:s14+$0x210]  }
0x80: {  	v16 =	vld [tilespmem:s14+$0x220];
	v1 =	vmax.f32 v1, $0.0e+00  }
0x81: {  	[tilespmem:s14+$0xF270] =	vst v1;
	v1 =	vld [tilespmem:s14+$0xA240]  }
0x82: {  	v7 =	vadd.f32 v7, v11;
	v11 =	vld [tilespmem:s14+$0x230]  }
0x83: {  	v3 =	vadd.f32 v3, v4;
	v4 =	vld [tilespmem:s14+$0x240]  }
0x84: {  	v0 =	vadd.f32 v0, v2;
	v2 =	vadd.f32 v14, v7;
	v7 =	vld [tilespmem:s14+$0x250]  }
0x85: {  	v5 =	vadd.f32 v6, v5;
	v3 =	vadd.f32 v15, v3;
	v6 =	vld [tilespmem:s14+$0x260]  }
0x86: {  	v2 =	vmax.f32 v2, $0.0e+00;
	v0 =	vadd.f32 v16, v0;
	v1 =	vadd.f32 v1, v8  }
0x87: {  	v8 =	vadd.f32 v10, v9;
	[tilespmem:s14+$0xF200] =	vst v2;
	v2 =	vmax.f32 v3, $0.0e+00;
	v3 =	vadd.f32 v11, v5  }
0x88: {  	v5 =	vadd.f32 v13, v58;
	[tilespmem:s14+$0xF210] =	vst v2;
	v0 =	vmax.f32 v0, $0.0e+00;
	v1 =	vadd.f32 v4, v1  }
0x89: {  	[tilespmem:s14+$0xF220] =	vst v0;
	v0 =	vmax.f32 v3, $0.0e+00;
	v2 =	vadd.f32 v7, v8  }
0x8a: {  	s15 =	smul.u32 $0x500, s12;
	[tilespmem:s14+$0xF230] =	vst v0;
	v0 =	vmax.f32 v1, $0.0e+00;
	v1 =	vadd.f32 v6, v5  }
0x8b: {  	s13 =	smul.u32 $0x50, s12;
	[tilespmem:s14+$0xF240] =	vst v0;
	v0 =	vmax.f32 v2, $0.0e+00  }
0x8c: {  	[tilespmem:s14+$0xF250] =	vst v0;
	v0 =	vmax.f32 v1, $0.0e+00  }
0x8d: {  	s16 =	sadd.s32 s4, s15;
	[tilespmem:s14+$0xF260] =	vst v0;
	s14 =	sadd.s32 $0xA0, s13  }
0x8e: {  	[hbm4b:s16+s5] =	stream.linear.scatter [tilespmem:s30], [sflag:$0x3], $0x2800, $0x38;
	[tilespmem:$0x14200] =	vst v63  }
0x8f: {  	s15 =	sshrl.u32 s14, $0x3  }
0x90: {  	s16 =	sadd.s32 s7, s15  }
0x91: {  	[tilespmem:s5], [sflag:$0x5] =	stream.linear.gather [hbm4b:s16+s5], $0x50, $0x38;
	[tilespmem:$0x14200] =	vst v63  }
0x92: {  	_ =	swait.ge [sflag:s17], $0x50  }
0x93: {  	[sflag:s17] =	ssyncset.done $0x0  }
0x94: {  	s15 =	sadd.s32 s3, s15;
	[sflag:s17] =	ssyncadd.s32 $0xFFFFFFB0  }
0x95: {  	[tilespmem:s18], [sflag:$0x5] =	stream.linear.gather [hbm4b:s15+s5], $0x50, $0x38;
	[tilespmem:$0x14200] =	vst v63  }
0x96: {  	_ =	swait.ge [sflag:s17], $0x50  }
0x97: {  	[sflag:s17] =	ssyncset.done $0x0  }
0x98: {  	[sflag:s17] =	ssyncadd.s32 $0xFFFFFFB0  }
0x99: {  	[tilespmem:s20], [sflag:$0x1] =	stream.indirect.gather [hbm4b:s0+s19], $0x80, s5, s19, $0xb8;
	[tilespmem:$0x14200] =	vst v63  }
0x9a: {  	s14 =	sshll.u32 s14, $0x4  }
0x9b: {  	[tilespmem:s21], [sflag:$0x1] =	stream.indirect.gather [hbm4b:s0+s19], $0x80, s18, s19, $0xb8;
	[tilespmem:$0x14200] =	vst v63  }
0x9c: {  	s14 =	sadd.s32 s8, s14  }
0x9d: {  	[tilespmem:s22], [sflag:$0x1] =	stream.linear.gather [hbm4b:s14+s5], $0x2800, $0x38;
	[tilespmem:$0x14200] =	vst v63  }
0x9e: {  	_ =	swait.ge [sflag:s31], $0x2800  }
0x9f: {  	[sflag:s31] =	ssyncset.done $0x0  }
0xa0: {  	[sflag:s31] =	ssyncadd.s32 $0xFFFFD800  }
0xa1: {  	_ =	swait.ge [sflag:s31], $0x2800  }
0xa2: {  	[sflag:s31] =	ssyncset.done $0x0  }
0xa3: {  	[sflag:s31] =	ssyncadd.s32 $0xFFFFD800  }
0xa4: {  	_ =	swait.ge [sflag:s31], $0x2800  }
0xa5: {  	[sflag:s31] =	ssyncset.done $0x0  }
0xa6: {  	s14 =	simm.s32 @!p0 $0x4;
	[sflag:s31] =	ssyncadd.s32 $0xFFFFD800  }
0xa7: {  	_ =	swait.ge @!p0 [sflag:s14], $0x2800  }
0xa8: {  	[sflag:s14] =	ssyncset.done @!p0 $0x0  }
0xa9: {  	[sflag:s14] =	ssyncadd.s32 @!p0 $0xFFFFD800;
	s14 =	simm.s32 $0x0  }
0xaa: {  	v0 =	vld [tilespmem:s14+$0x7A70]  }
0xab: {  	v1 =	vld [tilespmem:s14+$0xCA70]  }
0xac: {  	v2 =	vld [tilespmem:s14+$0x7A00]  }
0xad: {  	v3 =	vld [tilespmem:s14+$0x2A70]  }
0xae: {  	v4 =	vld [tilespmem:s14+$0xCA00]  }
0xaf: {  	v5 =	vld [tilespmem:s14+$0x7A10]  }
0xb0: {  	v6 =	vld [tilespmem:s14+$0xCA10]  }
0xb1: {  	v7 =	vld [tilespmem:s14+$0xCA20]  }
0xb2: {  	v9 =	vld [tilespmem:s14+$0xCA30]  }
0xb3: {  	v10 =	vld [tilespmem:s14+$0x7A40]  }
0xb4: {  	v11 =	vld [tilespmem:s14+$0x7A50]  }
0xb5: {  	v59 =	vld [tilespmem:s14+$0xCA50]  }
0xb6: {  	v60 =	vld [tilespmem:s14+$0x7A60];
	v0 =	vadd.f32 v1, v0  }
0xb7: {  	v61 =	vld [tilespmem:s14+$0xCA60]  }
0xb8: {  	v62 =	vld [tilespmem:s14+$0x2A00];
	v0 =	vadd.f32 v3, v0  }
0xb9: {  	v1 =	vld [tilespmem:s14+$0x7A20]  }
0xba: {  	v3 =	vld [tilespmem:s14+$0x7A30];
	v0 =	vmax.f32 v0, $0.0e+00  }
0xbb: {  	[tilespmem:s14+$0x11A70] =	vst v0;
	v0 =	vld [tilespmem:s14+$0xCA40]  }
0xbc: {  	v63 =	vld [tilespmem:s14+$0x2A10]  }
0xbd: {  	v17 =	vld [tilespmem:s14+$0x2A20]  }
0xbe: {  	v8 =	vld [tilespmem:s14+$0x2A30];
	v2 =	vadd.f32 v4, v2;
	v18 =	vadd.f32 v6, v5  }
0xbf: {  	v19 =	vadd.f32 v7, v1;
	v7 =	vld [tilespmem:s14+$0x2A40];
	v4 =	vadd.f32 v9, v3  }
0xc0: {  	v6 =	vld [tilespmem:s14+$0x2A50];
	v3 =	vadd.f32 v0, v10;
	v10 =	vadd.f32 v62, v2  }
0xc1: {  	s15 =	simm.s32 $0x80;
	v5 =	vld [tilespmem:s14+$0x2A60];
	v9 =	vadd.f32 v63, v18;
	v2 =	vadd.f32 v59, v11  }
0xc2: {  	s16 =	simm.s32 $0x400;
	v1 =	vld [tilespmem:s15+$0x7A70];
	v0 =	vadd.f32 v61, v60;
	v11 =	vmax.f32 v10, $0.0e+00;
	v10 =	vadd.f32 v17, v19  }
.LBB2_5:
0xc3: {  	p0 =	sne.s32 s16, $0x9E00;
	v12 =	vld [tilespmem:s15+$0xCA70];
	[tilespmem:s14+$0x11A00] =	vst v11;
	v9 =	vmax.f32 v9, $0.0e+00;
	v4 =	vadd.f32 v8, v4  }
0xc4: {  	v8 =	vld [tilespmem:s15+$0x7A00];
	[tilespmem:s14+$0x11A10] =	vst v9;
	v9 =	vmax.f32 v10, $0.0e+00;
	v3 =	vadd.f32 v7, v3  }
0xc5: {  	v7 =	vld [tilespmem:s15+$0x2A70];
	[tilespmem:s14+$0x11A20] =	vst v9;
	v4 =	vmax.f32 v4, $0.0e+00;
	v2 =	vadd.f32 v6, v2  }
0xc6: {  	v6 =	vld [tilespmem:s15+$0xCA00];
	[tilespmem:s14+$0x11A30] =	vst v4;
	v3 =	vmax.f32 v3, $0.0e+00;
	v0 =	vadd.f32 v5, v0  }
0xc7: {  	v4 =	vld [tilespmem:s15+$0x7A10];
	[tilespmem:s14+$0x11A40] =	vst v3;
	v2 =	vmax.f32 v2, $0.0e+00  }
0xc8: {  	v3 =	vld [tilespmem:s15+$0xCA10];
	v1 =	vadd.f32 v12, v1;
	[tilespmem:s14+$0x11A50] =	vst v2;
	v0 =	vmax.f32 v0, $0.0e+00  }
0xc9: {  	v2 =	vld [tilespmem:s15+$0x7A20];
	[tilespmem:s14+$0x11A60] =	vst v0;
	s14 =	smov.u32 s15  }
0xca: {  	v0 =	vld [tilespmem:s14+$0xCA20];
	v1 =	vadd.f32 v7, v1  }
0xcb: {  	v5 =	vadd.f32 v6, v8;
	v6 =	vld [tilespmem:s14+$0x7A30]  }
0xcc: {  	v7 =	vld [tilespmem:s14+$0xCA30];
	v1 =	vmax.f32 v1, $0.0e+00  }
0xcd: {  	v9 =	vadd.f32 v3, v4;
	v3 =	vld [tilespmem:s14+$0x7A40];
	[tilespmem:s14+$0x11A70] =	vst v1  }
0xce: {  	v1 =	vld [tilespmem:s14+$0xCA40]  }
0xcf: {  	v10 =	vadd.f32 v0, v2;
	v0 =	vld [tilespmem:s14+$0x7A50]  }
0xd0: {  	v2 =	vld [tilespmem:s14+$0xCA50]  }
0xd1: {  	v4 =	vadd.f32 v7, v6;
	v6 =	vld [tilespmem:s14+$0x7A60]  }
0xd2: {  	v11 =	vld [tilespmem:s14+$0xCA60]  }
0xd3: {  	v12 =	vld [tilespmem:s14+$0x2A00];
	v3 =	vadd.f32 v1, v3  }
0xd4: {  	v1 =	vld [tilespmem:s14+$0x2A10]  }
0xd5: {  	v13 =	vld [tilespmem:s14+$0x2A20];
	v2 =	vadd.f32 v2, v0  }
.Ltmp1:
0xd6: {  	v8 =	vld [tilespmem:s14+$0x2A30];
	(pc) =	sbr.rel @p0 .LBB2_5-.Ltmp1, $4  }
0xd7: {  	v7 =	vld [tilespmem:s14+$0x2A40];
	v0 =	vadd.f32 v11, v6  }
0xd8: {  	v11 =	vadd.f32 v12, v5;
	v6 =	vld [tilespmem:s14+$0x2A50]  }
0xd9: {  	s15 =	sshra.s32 s16, $0x2;
	v9 =	vadd.f32 v1, v9;
	v5 =	vld [tilespmem:s14+$0x2A60]  }
0xda: {  	s16 =	sadd.s32 $0x200, s16;
	v1 =	vld [tilespmem:s15+$0x7A70];
	v11 =	vmax.f32 v11, $0.0e+00;
	v10 =	vadd.f32 v13, v10  }
0xdb: {  	v12 =	vld [tilespmem:s15+$0xCA70];
	[tilespmem:s14+$0x11A00] =	vst v11;
	v9 =	vmax.f32 v9, $0.0e+00;
	v4 =	vadd.f32 v8, v4  }
0xdc: {  	v11 =	vld [tilespmem:s15+$0x7A00];
	[tilespmem:s14+$0x11A10] =	vst v9;
	v41 =	vmax.f32 v10, $0.0e+00;
	v3 =	vadd.f32 v7, v3  }
0xdd: {  	v9 =	vld [tilespmem:s15+$0x2A70];
	[tilespmem:s14+$0x11A20] =	vst v41;
	v4 =	vmax.f32 v4, $0.0e+00;
	v2 =	vadd.f32 v6, v2  }
0xde: {  	v42 =	vld [tilespmem:s15+$0xCA00];
	[tilespmem:s14+$0x11A30] =	vst v4;
	v3 =	vmax.f32 v3, $0.0e+00;
	v0 =	vadd.f32 v5, v0  }
0xdf: {  	v4 =	vld [tilespmem:s15+$0x7A10];
	[tilespmem:s14+$0x11A40] =	vst v3;
	v2 =	vmax.f32 v2, $0.0e+00  }
0xe0: {  	v3 =	vld [tilespmem:s15+$0xCA10];
	[tilespmem:s14+$0x11A50] =	vst v2;
	v0 =	vmax.f32 v0, $0.0e+00  }
0xe1: {  	v2 =	vld [tilespmem:s15+$0x7A20];
	[tilespmem:s14+$0x11A60] =	vst v0  }
0xe2: {  	v0 =	vld [tilespmem:s15+$0xCA20]  }
0xe3: {  	v43 =	vld [tilespmem:s15+$0x7A30]  }
0xe4: {  	v44 =	vld [tilespmem:s15+$0xCA30]  }
0xe5: {  	v8 =	vld [tilespmem:s15+$0x7A40]  }
0xe6: {  	v45 =	vld [tilespmem:s15+$0xCA40]  }
0xe7: {  	v46 =	vld [tilespmem:s15+$0x7A50]  }
0xe8: {  	v47 =	vld [tilespmem:s15+$0xCA50]  }
0xe9: {  	v48 =	vld [tilespmem:s15+$0x7A60]  }
0xea: {  	v13 =	vld [tilespmem:s15+$0xCA60]  }
0xeb: {  	v14 =	vld [tilespmem:s15+$0x2A00]  }
0xec: {  	v15 =	vld [tilespmem:s15+$0x2A10]  }
0xed: {  	v1 =	vadd.f32 v12, v1;
	v16 =	vld [tilespmem:s15+$0x2A20]  }
0xee: {  	v49 =	vld [tilespmem:s15+$0x2A30];
	v7 =	vadd.f32 v42, v11  }
0xef: {  	v1 =	vadd.f32 v9, v1;
	v50 =	vld [tilespmem:s15+$0x2A40];
	v3 =	vadd.f32 v3, v4  }
0xf0: {  	v52 =	vld [tilespmem:s15+$0x2A50];
	v0 =	vadd.f32 v0, v2;
	v51 =	vadd.f32 v14, v7  }
0xf1: {  	v53 =	vld [tilespmem:s15+$0x2A60];
	v1 =	vmax.f32 v1, $0.0e+00;
	v5 =	vadd.f32 v44, v43;
	v3 =	vadd.f32 v15, v3  }
0xf2: {  	[tilespmem:s15+$0x11A70] =	vst v1;
	v1 =	vadd.f32 v45, v8;
	v0 =	vadd.f32 v16, v0;
	v2 =	vmax.f32 v51, $0.0e+00  }
0xf3: {  	v54 =	vadd.f32 v47, v46;
	v55 =	vmax.f32 v3, $0.0e+00;
	v56 =	vadd.f32 v49, v5;
	[tilespmem:s15+$0x11A00] =	vst v2  }
0xf4: {  	v57 =	vadd.f32 v13, v48;
	v1 =	vadd.f32 v50, v1;
	[tilespmem:s15+$0x11A10] =	vst v55;
	v0 =	vmax.f32 v0, $0.0e+00  }
0xf5: {  	s12 =	smul.u32 $0x2800, s12;
	p0 =	seq.s32 s11, $0x3D;
	v59 =	vadd.f32 v52, v54;
	v58 =	vmax.f32 v56, $0.0e+00;
	[tilespmem:s15+$0x11A20] =	vst v0  }
.Ltmp2:
0xf6: {  	v61 =	vadd.f32 v53, v57;
	v60 =	vmax.f32 v1, $0.0e+00;
	[tilespmem:s15+$0x11A30] =	vst v58;
	(pc) =	sbr.rel @p0 .LBB2_8-.Ltmp2, $4  }
0xf7: {  	s12 =	sshrl.u32 s12, $0x3;
	v62 =	vmax.f32 v59, $0.0e+00;
	[tilespmem:s15+$0x11A40] =	vst v60  }
0xf8: {  	s12 =	sadd.s32 s4, s12;
	v63 =	vmax.f32 v61, $0.0e+00;
	[tilespmem:s15+$0x11A50] =	vst v62  }
0xf9: {  	s12 =	sadd.s32 $0x500, s12;
	[tilespmem:s15+$0x11A60] =	vst v63  }
0xfa: {  	[hbm4b:s12+s5] =	stream.linear.scatter [tilespmem:s1], [sflag:$0x4], $0x2800, $0x38;
	[tilespmem:$0x14200] =	vst v63  }
0xfb: {  	s12 =	sadd.s32 $0xF0, s13  }
0xfc: {  	s13 =	sshrl.u32 s12, $0x3  }
0xfd: {  	s14 =	sadd.s32 s7, s13  }
0xfe: {  	[tilespmem:s23], [sflag:$0x5] =	stream.linear.gather [hbm4b:s14+s5], $0x50, $0x38;
	[tilespmem:$0x14200] =	vst v63  }
0xff: {  	_ =	swait.ge [sflag:s17], $0x50  }
0x100: {  	[sflag:s17] =	ssyncset.done $0x0  }
0x101: {  	s13 =	sadd.s32 s3, s13;
	[sflag:s17] =	ssyncadd.s32 $0xFFFFFFB0  }
0x102: {  	[tilespmem:s24], [sflag:$0x5] =	stream.linear.gather [hbm4b:s13+s5], $0x50, $0x38;
	[tilespmem:$0x14200] =	vst v63  }
0x103: {  	_ =	swait.ge [sflag:s17], $0x50  }
0x104: {  	[sflag:s17] =	ssyncset.done $0x0  }
0x105: {  	[sflag:s17] =	ssyncadd.s32 $0xFFFFFFB0  }
0x106: {  	[tilespmem:s25], [sflag:$0x2] =	stream.indirect.gather [hbm4b:s0+s19], $0x80, s23, s19, $0xb8;
	[tilespmem:$0x14200] =	vst v63  }
.Ltmp3:
0x107: {  	_ = 	snop;
	(pc) =	sbr.rel .LBB2_2-.Ltmp3, $4  }
0x108: {  	s12 =	sshll.u32 s12, $0x4  }
0x109: {  	[tilespmem:s26], [sflag:$0x2] =	stream.indirect.gather [hbm4b:s0+s19], $0x80, s24, s19, $0xb8;
	[tilespmem:$0x14200] =	vst v63  }
0x10a: {  	s11 =	sadd.s32 $0x1, s11;
	s12 =	sadd.s32 s8, s12  }
0x10b: {  	[tilespmem:s28], [sflag:$0x2] =	stream.linear.gather [hbm4b:s12+s5], $0x2800, $0x38;
	[tilespmem:$0x14200] =	vst v63  }
.LBB2_8:
0x10c: {  	_ =	swait.ge [sflag:s29], $0x2800  }
0x10d: {  	[sflag:s29] =	ssyncset.done $0x0  }
0x10e: {  	[sflag:s29] =	ssyncadd.s32 $0xFFFFD800  }
0x10f: {  	_ =	swait.ge [sflag:s29], $0x2800  }
0x110: {  	[sflag:s29] =	ssyncset.done $0x0  }
0x111: {  	[sflag:s29] =	ssyncadd.s32 $0xFFFFD800  }
0x112: {  	_ =	swait.ge [sflag:s29], $0x2800  }
0x113: {  	[sflag:s29] =	ssyncset.done $0x0  }
0x114: {  	[sflag:s29] =	ssyncadd.s32 $0xFFFFD800  }
0x115: {  	_ =	swait.ge [sflag:s2], $0x2800  }
0x116: {  	[sflag:s2] =	ssyncset.done $0x0  }
0x117: {  	s11 =	simm.s32 $0x0;
	[sflag:s2] =	ssyncadd.s32 $0xFFFFD800  }
0x118: {  	v0 =	vld [tilespmem:s11+$0x5270]  }
0x119: {  	v1 =	vld [tilespmem:s11+$0xA270]  }
0x11a: {  	v2 =	vld [tilespmem:s11+$0x5200]  }
0x11b: {  	v3 =	vld [tilespmem:s11+$0x270]  }
0x11c: {  	v4 =	vld [tilespmem:s11+$0xA200]  }
0x11d: {  	v5 =	vld [tilespmem:s11+$0x5210]  }
0x11e: {  	v6 =	vld [tilespmem:s11+$0xA210]  }
0x11f: {  	v7 =	vld [tilespmem:s11+$0xA220]  }
0x120: {  	v9 =	vld [tilespmem:s11+$0xA230]  }
0x121: {  	v10 =	vld [tilespmem:s11+$0x5240]  }
0x122: {  	v11 =	vld [tilespmem:s11+$0x5250]  }
0x123: {  	v12 =	vld [tilespmem:s11+$0xA250]  }
0x124: {  	v13 =	vld [tilespmem:s11+$0x5260];
	v0 =	vadd.f32 v1, v0  }
0x125: {  	v14 =	vld [tilespmem:s11+$0xA260]  }
0x126: {  	v15 =	vld [tilespmem:s11+$0x200];
	v0 =	vadd.f32 v3, v0  }
0x127: {  	v1 =	vld [tilespmem:s11+$0x5220]  }
0x128: {  	v3 =	vld [tilespmem:s11+$0x5230];
	v0 =	vmax.f32 v0, $0.0e+00  }
0x129: {  	[tilespmem:s11+$0xF270] =	vst v0;
	v0 =	vld [tilespmem:s11+$0xA240]  }
0x12a: {  	v16 =	vld [tilespmem:s11+$0x210]  }
0x12b: {  	v17 =	vld [tilespmem:s11+$0x220]  }
0x12c: {  	v8 =	vld [tilespmem:s11+$0x230];
	v2 =	vadd.f32 v4, v2;
	v18 =	vadd.f32 v6, v5  }
0x12d: {  	v19 =	vadd.f32 v7, v1;
	v7 =	vld [tilespmem:s11+$0x240];
	v4 =	vadd.f32 v9, v3  }
0x12e: {  	v6 =	vld [tilespmem:s11+$0x250];
	v3 =	vadd.f32 v0, v10;
	v10 =	vadd.f32 v15, v2  }
0x12f: {  	s12 =	simm.s32 $0x80;
	v5 =	vld [tilespmem:s11+$0x260];
	v9 =	vadd.f32 v16, v18;
	v2 =	vadd.f32 v12, v11  }
0x130: {  	s13 =	simm.s32 $0x400;
	v1 =	vld [tilespmem:s12+$0x5270];
	v0 =	vadd.f32 v14, v13;
	v11 =	vmax.f32 v10, $0.0e+00;
	v10 =	vadd.f32 v17, v19  }
.LBB2_9:
0x131: {  	p0 =	sne.s32 s13, $0x9E00;
	v12 =	vld [tilespmem:s12+$0xA270];
	[tilespmem:s11+$0xF200] =	vst v11;
	v9 =	vmax.f32 v9, $0.0e+00;
	v4 =	vadd.f32 v8, v4  }
0x132: {  	v8 =	vld [tilespmem:s12+$0x5200];
	[tilespmem:s11+$0xF210] =	vst v9;
	v9 =	vmax.f32 v10, $0.0e+00;
	v3 =	vadd.f32 v7, v3  }
0x133: {  	v7 =	vld [tilespmem:s12+$0x270];
	[tilespmem:s11+$0xF220] =	vst v9;
	v4 =	vmax.f32 v4, $0.0e+00;
	v2 =	vadd.f32 v6, v2  }
0x134: {  	v6 =	vld [tilespmem:s12+$0xA200];
	[tilespmem:s11+$0xF230] =	vst v4;
	v3 =	vmax.f32 v3, $0.0e+00;
	v0 =	vadd.f32 v5, v0  }
0x135: {  	v4 =	vld [tilespmem:s12+$0x5210];
	[tilespmem:s11+$0xF240] =	vst v3;
	v2 =	vmax.f32 v2, $0.0e+00  }
0x136: {  	v3 =	vld [tilespmem:s12+$0xA210];
	v1 =	vadd.f32 v12, v1;
	[tilespmem:s11+$0xF250] =	vst v2;
	v0 =	vmax.f32 v0, $0.0e+00  }
0x137: {  	v2 =	vld [tilespmem:s12+$0x5220];
	[tilespmem:s11+$0xF260] =	vst v0;
	s11 =	smov.u32 s12  }
0x138: {  	v0 =	vld [tilespmem:s11+$0xA220];
	v1 =	vadd.f32 v7, v1  }
0x139: {  	v5 =	vadd.f32 v6, v8;
	v6 =	vld [tilespmem:s11+$0x5230]  }
0x13a: {  	v7 =	vld [tilespmem:s11+$0xA230];
	v1 =	vmax.f32 v1, $0.0e+00  }
0x13b: {  	v9 =	vadd.f32 v3, v4;
	v3 =	vld [tilespmem:s11+$0x5240];
	[tilespmem:s11+$0xF270] =	vst v1  }
0x13c: {  	v1 =	vld [tilespmem:s11+$0xA240]  }
0x13d: {  	v10 =	vadd.f32 v0, v2;
	v0 =	vld [tilespmem:s11+$0x5250]  }
0x13e: {  	v2 =	vld [tilespmem:s11+$0xA250]  }
0x13f: {  	v4 =	vadd.f32 v7, v6;
	v6 =	vld [tilespmem:s11+$0x5260]  }
0x140: {  	v11 =	vld [tilespmem:s11+$0xA260]  }
0x141: {  	v12 =	vld [tilespmem:s11+$0x200];
	v3 =	vadd.f32 v1, v3  }
0x142: {  	v1 =	vld [tilespmem:s11+$0x210]  }
0x143: {  	v13 =	vld [tilespmem:s11+$0x220];
	v2 =	vadd.f32 v2, v0  }
.Ltmp4:
0x144: {  	v8 =	vld [tilespmem:s11+$0x230];
	(pc) =	sbr.rel @p0 .LBB2_9-.Ltmp4, $4  }
0x145: {  	v7 =	vld [tilespmem:s11+$0x240];
	v0 =	vadd.f32 v11, v6  }
0x146: {  	v11 =	vadd.f32 v12, v5;
	v6 =	vld [tilespmem:s11+$0x250]  }
0x147: {  	s12 =	sshra.s32 s13, $0x2;
	v9 =	vadd.f32 v1, v9;
	v5 =	vld [tilespmem:s11+$0x260]  }
0x148: {  	s13 =	sadd.s32 $0x200, s13;
	v1 =	vld [tilespmem:s12+$0x5270];
	v11 =	vmax.f32 v11, $0.0e+00;
	v10 =	vadd.f32 v13, v10  }
0x149: {  	v12 =	vld [tilespmem:s12+$0xA270];
	[tilespmem:s11+$0xF200] =	vst v11;
	v9 =	vmax.f32 v9, $0.0e+00;
	v4 =	vadd.f32 v8, v4  }
0x14a: {  	v11 =	vld [tilespmem:s12+$0x5200];
	[tilespmem:s11+$0xF210] =	vst v9;
	v41 =	vmax.f32 v10, $0.0e+00;
	v3 =	vadd.f32 v7, v3  }
0x14b: {  	v9 =	vld [tilespmem:s12+$0x270];
	[tilespmem:s11+$0xF220] =	vst v41;
	v4 =	vmax.f32 v4, $0.0e+00;
	v2 =	vadd.f32 v6, v2  }
0x14c: {  	v42 =	vld [tilespmem:s12+$0xA200];
	[tilespmem:s11+$0xF230] =	vst v4;
	v3 =	vmax.f32 v3, $0.0e+00;
	v0 =	vadd.f32 v5, v0  }
0x14d: {  	v4 =	vld [tilespmem:s12+$0x5210];
	[tilespmem:s11+$0xF240] =	vst v3;
	v2 =	vmax.f32 v2, $0.0e+00  }
0x14e: {  	v3 =	vld [tilespmem:s12+$0xA210];
	[tilespmem:s11+$0xF250] =	vst v2;
	v0 =	vmax.f32 v0, $0.0e+00  }
0x14f: {  	v2 =	vld [tilespmem:s12+$0x5220];
	[tilespmem:s11+$0xF260] =	vst v0  }
0x150: {  	v0 =	vld [tilespmem:s12+$0xA220]  }
0x151: {  	v43 =	vld [tilespmem:s12+$0x5230]  }
0x152: {  	v44 =	vld [tilespmem:s12+$0xA230]  }
0x153: {  	v8 =	vld [tilespmem:s12+$0x5240]  }
0x154: {  	v45 =	vld [tilespmem:s12+$0xA240]  }
0x155: {  	v46 =	vld [tilespmem:s12+$0x5250]  }
0x156: {  	v47 =	vld [tilespmem:s12+$0xA250]  }
0x157: {  	v48 =	vld [tilespmem:s12+$0x5260]  }
0x158: {  	v13 =	vld [tilespmem:s12+$0xA260]  }
0x159: {  	v14 =	vld [tilespmem:s12+$0x200]  }
0x15a: {  	v15 =	vld [tilespmem:s12+$0x210]  }
0x15b: {  	v1 =	vadd.f32 v12, v1;
	v16 =	vld [tilespmem:s12+$0x220]  }
0x15c: {  	v49 =	vld [tilespmem:s12+$0x230];
	v7 =	vadd.f32 v42, v11  }
0x15d: {  	v1 =	vadd.f32 v9, v1;
	v50 =	vld [tilespmem:s12+$0x240];
	v3 =	vadd.f32 v3, v4  }
0x15e: {  	v52 =	vld [tilespmem:s12+$0x250];
	v0 =	vadd.f32 v0, v2;
	v51 =	vadd.f32 v14, v7  }
0x15f: {  	v53 =	vld [tilespmem:s12+$0x260];
	v1 =	vmax.f32 v1, $0.0e+00;
	v5 =	vadd.f32 v44, v43;
	v3 =	vadd.f32 v15, v3  }
0x160: {  	[tilespmem:s12+$0xF270] =	vst v1;
	v1 =	vadd.f32 v45, v8;
	v0 =	vadd.f32 v16, v0;
	v2 =	vmax.f32 v51, $0.0e+00  }
0x161: {  	v54 =	vadd.f32 v47, v46;
	v55 =	vmax.f32 v3, $0.0e+00;
	v56 =	vadd.f32 v49, v5;
	[tilespmem:s12+$0xF200] =	vst v2  }
0x162: {  	v57 =	vadd.f32 v13, v48;
	v1 =	vadd.f32 v50, v1;
	[tilespmem:s12+$0xF210] =	vst v55;
	v0 =	vmax.f32 v0, $0.0e+00  }
0x163: {  	v59 =	vadd.f32 v52, v54;
	v58 =	vmax.f32 v56, $0.0e+00;
	[tilespmem:s12+$0xF220] =	vst v0  }
0x164: {  	v61 =	vadd.f32 v53, v57;
	v60 =	vmax.f32 v1, $0.0e+00;
	[tilespmem:s12+$0xF230] =	vst v58  }
0x165: {  	v62 =	vmax.f32 v59, $0.0e+00;
	[tilespmem:s12+$0xF240] =	vst v60  }
0x166: {  	v63 =	vmax.f32 v61, $0.0e+00;
	[tilespmem:s12+$0xF250] =	vst v62  }
0x167: {  	s15 =	rddreg [dreg:$0xa];
	[tilespmem:s12+$0xF260] =	vst v63  }
0x168: {  	[hbm4b:s15+s5] =	stream.linear.scatter [tilespmem:s30], [sflag:$0x3], $0x2800, $0x38;
	[tilespmem:$0x14200] =	vst v63  }
0x169: {  	_ =	swait.ge [sflag:s2], $0x2800  }
0x16a: {  	[sflag:s2] =	ssyncset.done $0x0  }
0x16b: {  	[sflag:s2] =	ssyncadd.s32 $0xFFFFD800  }
0x16c: {  	_ =	swait.ge [sflag:s9], $0x2800  }
0x16d: {  	s10 =	sadd.s32 $0x1, s10;
	s16 =	rddreg [dreg:$0xb]  }
0x16e: {  	p0 =	sne.s32 s10, s16  }
.Ltmp5:
0x16f: {  	_ = 	snop;
	(pc) =	sbr.rel @p0 .LBB2_1-.Ltmp5, $3  }
0x170: {  	_ =	sdelay $0x1  }
0x171: {  	[sflag:s9] =	ssyncset.done $0x0  }
0x172: {  	[sflag:s9] =	ssyncadd.s32 $0xFFFFD800  }
0x173: {  	_ =	sfence.sel $0x180000  }
0x174: {  	[bflag:$0x0] =	sbarrier.arrive $0xFFFF  }
0x175: {  	_ =	strace $0x90000047  }
0x176: {  	s0 =	stileid.u32;
	[bflag:$0x2] =	sbarrier.arrive $0xFFFF  }
0x177: {  	p0 =	sne.s32 s0, $0x0;
	s0 =	rddreg [dreg:$0x3]  }
0x178: {  	s0 =	sadd.s32 @!p0 $0x100000, s0  }
0x179: {  	[sflag:s0] =	ssyncadd.tile.s32 @!p0 $0x1;
	_ =	shalt  }
.Lfunc_end2:
_tile_overlayer_lowered:
.L_overlay_start_2:
0x17a: {  	(tag) =	ssettag $0x2  }
0x17b: {  	s0 =	rddreg [dreg:$0x0];
	s2 =	stileid.u32  }
0x17c: {  	s1 =	rddreg [dreg:$0x1];
	p0 =	sne.s32 s2, $0x0  }
0x17d: {  	s3 =	rddreg [dreg:$0x2];
	[bflag:$0x3] =	sbarrier.arrive $0xFFFF;
	s2 =	simm.s32 @!p0 $0x1C05  }
0x17e: {  	[timem:s3], [sflag:s2] =	dma.local @!p0 [hbm:s0], s1  }
0x17f: {  	s0 =	simm.s32 @!p0 $0x5  }
0x180: {  	_ =	swait.ge @!p0 [sflag:s0], s1  }
0x181: {  	s1 =	ssub.s32 @!p0 $0x0, s1;
	[sflag:s0] =	ssyncset.done @!p0 $0x0  }
0x182: {  	[sflag:s0] =	ssyncadd.s32 @!p0 s1  }
0x183: {  	[bflag:$0x3] =	sbarrier.arrive $0xFFFF  }
0x184: {  	_ =	shalt  }

</sc_bundles>
